<compile_context>
chip_gen: v7x
topology: tpu7x:2x2x1
jax: 0.10.2.dev20260603
libtpu: 0.0.44.dev20260713+nightly
codegen_flags: <defaults>
</compile_context>

<pallas_src>
import jax
import jax.numpy as jnp
from jax import lax
from jax.experimental import pallas as pl
from jax.experimental.pallas import tpu as pltpu
from jax.experimental.pallas import tpu_sc as plsc

BATCH = 16384
D = 64
NC, NS = 2, 16
NW = NC * NS
B_PER_W = BATCH // NW
CHUNK = 128
N_CHUNKS = B_PER_W // CHUNK
QSPLIT = 1 << 18
HBLK = 8192
LASTBLK = (1000000 - 1) // HBLK


def _retile_kernel(a_ref, b_ref, c_ref, d_ref, dst_ref):
    eye = jnp.eye(D, dtype=jnp.float32)
    dims = (((0,), (0,)), ((), ()))
    u32 = jnp.uint32

    def t(x):
        return jax.lax.dot_general(x, eye, dims,
                                   preferred_element_type=jnp.float32)

    def pack(hi_f, lo_f):
        hi = jax.lax.bitcast_convert_type(hi_f, u32) + u32(0x8000)
        lo = jax.lax.bitcast_convert_type(lo_f, u32) + u32(0x8000)
        return jax.lax.bitcast_convert_type(
            (hi & u32(0xFFFF0000)) | (lo >> 16), jnp.float32)

    dst_ref[...] = jnp.concatenate(
        [pack(t(a_ref[...]), t(b_ref[...])),
         pack(t(c_ref[...]), t(d_ref[...]))], axis=1)


def _tc_retile(table_t):
    step = QSPLIT // HBLK

    def spec(k):
        return pl.BlockSpec(
            (D, HBLK), lambda j, k=k: (0, jnp.minimum(j + k * step, LASTBLK)))

    return pl.pallas_call(
        _retile_kernel,
        grid=(step,),
        in_specs=[spec(0), spec(1), spec(2), spec(3)],
        out_specs=pl.BlockSpec((HBLK, 2 * D), lambda j: (j, 0)),
        out_shape=jax.ShapeDtypeStruct((QSPLIT, 2 * D), jnp.float32),
        compiler_params=pltpu.CompilerParams(
            dimension_semantics=("parallel",)),
    )(table_t, table_t, table_t, table_t)


def _sc_gather_one(table2, idx_arr):
    mesh = plsc.VectorSubcoreMesh(core_axis_name="c", subcore_axis_name="s")
    out_t = jax.ShapeDtypeStruct((BATCH, 2 * D), jnp.float32)

    @pl.kernel(
        out_type=out_t,
        mesh=mesh,
        scratch_types=[
            pltpu.VMEM((B_PER_W,), jnp.int32),
            pltpu.VMEM((B_PER_W, 2 * D), jnp.float32),
            pltpu.SemaphoreType.DMA,
        ],
        compiler_params=pltpu.CompilerParams(use_tc_tiling_on_sc=False),
    )
    def gather_kernel(t_hbm, i_hbm, o_hbm, idx, rows, sem):
        wid = lax.axis_index("s") * NC + lax.axis_index("c")
        base = wid * B_PER_W
        pltpu.sync_copy(i_hbm.at[pl.ds(base, B_PER_W)], idx)
        copies = []
        for c in range(N_CHUNKS):
            sl = pl.ds(c * CHUNK, CHUNK)
            copies.append(pltpu.async_copy(
                t_hbm.at[idx.at[sl]], rows.at[sl], sem))
        for cp in copies:
            cp.wait()
        pltpu.sync_copy(rows, o_hbm.at[pl.ds(base, B_PER_W)])

    return gather_kernel(table2, idx_arr)


def _towers_kernel(ue2_ref, ie2_ref, uw_ref, ul_ref, iw_ref, il_ref,
                   uW1_ref, ub1_ref, uW2_ref, ub2_ref,
                   iW1_ref, ib1_ref, iW2_ref, ib2_ref, out_ref):
    f32 = jnp.float32

    def tower(e2, p_word, p_lane, W1, b1, W2, b2):
        u32 = jnp.uint32
        bits = jax.lax.bitcast_convert_type(e2, u32)
        v_hi = jax.lax.bitcast_convert_type(bits & u32(0xFFFF0000), f32)
        v_lo = jax.lax.bitcast_convert_type(bits << 16, f32)
        v = v_hi + p_word * (v_lo - v_hi)
        e = v[:, :D] + p_lane * (v[:, D:] - v[:, :D])
        h = jnp.maximum(jnp.dot(e, W1, preferred_element_type=f32) + b1, 0.0)
        o = jnp.dot(h, W2, preferred_element_type=f32) + b2
        norm = jnp.sqrt(jnp.sum(o * o, axis=1, keepdims=True))
        return o / jnp.maximum(norm, 1e-12)

    u = tower(ue2_ref[...], uw_ref[...], ul_ref[...], uW1_ref[...],
              ub1_ref[...], uW2_ref[...], ub2_ref[...])
    v = tower(ie2_ref[...], iw_ref[...], il_ref[...], iW1_ref[...],
              ib1_ref[...], iW2_ref[...], ib2_ref[...])
    out_ref[...] = jnp.sum(u * v, axis=1)


def _tc_towers(u_emb2, i_emb2, uw, ul, iw, il,
               uW1, ub1, uW2, ub2, iW1, ib1, iW2, ib2):
    B_BLK = 2048
    grid = (BATCH // B_BLK,)
    full = lambda shape: pl.BlockSpec(shape, lambda i: (0,) * len(shape))
    par_spec = pl.BlockSpec((B_BLK, 1), lambda i: (i, 0))
    return pl.pallas_call(
        _towers_kernel,
        grid=grid,
        in_specs=[
            pl.BlockSpec((B_BLK, 2 * D), lambda i: (i, 0)),
            pl.BlockSpec((B_BLK, 2 * D), lambda i: (i, 0)),
            par_spec, par_spec, par_spec, par_spec,
            full((D, 2 * D)), full((1, 2 * D)), full((2 * D, D)), full((1, D)),
            full((D, 2 * D)), full((1, 2 * D)), full((2 * D, D)), full((1, D)),
        ],
        out_specs=pl.BlockSpec((B_BLK,), lambda i: (i,)),
        out_shape=jax.ShapeDtypeStruct((BATCH,), jnp.float32),
        compiler_params=pltpu.CompilerParams(
            dimension_semantics=("parallel",)),
    )(u_emb2, i_emb2, uw, ul, iw, il,
      uW1, ub1.reshape(1, -1), uW2, ub2.reshape(1, -1),
      iW1, ib1.reshape(1, -1), iW2, ib2.reshape(1, -1))


def kernel(user_ids, item_ids, user_table, item_table,
           uW1, ub1, uW2, ub2, iW1, ib1, iW2, ib2):
    ut2 = _tc_retile(user_table.T)
    it2 = _tc_retile(item_table.T)
    uidx = jax.lax.bitwise_and(user_ids, QSPLIT - 1)
    iidx = jax.lax.bitwise_and(item_ids, QSPLIT - 1)

    def par_bits(ids):
        sel = jax.lax.shift_right_logical(ids, 18)
        word = jax.lax.bitwise_and(sel, 1).astype(jnp.float32).reshape(BATCH, 1)
        lane = jax.lax.shift_right_logical(sel, 1).astype(jnp.float32).reshape(BATCH, 1)
        return word, lane

    uw, ul = par_bits(user_ids)
    iw, il = par_bits(item_ids)
    u_emb2 = _sc_gather_one(ut2, uidx)
    i_emb2 = _sc_gather_one(it2, iidx)
    return _tc_towers(u_emb2, i_emb2, uw, ul, iw, il,
                      uW1, ub1, uW2, ub2, iW1, ib1, iW2, ib2)

# --- scband reference (transcript-rebuilt; emitter-appended) ---
"""Pipeline reference for scband-collaborative-filtering-model-40389872451839 (READ-ONLY COPY).

The authoritative reference and input builder live on the scoring server;
editing this copy changes nothing except your own understanding.
"""

import jax, jax.numpy as jnp
import numpy as np

EMBED_DIM = 64
NUM_USERS = 1000000
NUM_ITEMS = 1000000
BATCH = 16384


def setup_inputs(seed: int = 0) -> dict:
    key = jax.random.key(seed)
    ks = jax.random.split(key, 12)
    d = EMBED_DIM
    inp = {}
    inp['user_ids'] = jax.random.randint(ks[0], (BATCH,), 0, NUM_USERS, dtype=jnp.int64 if jax.config.jax_enable_x64 else jnp.int32)
    inp['item_ids'] = jax.random.randint(ks[1], (BATCH,), 0, NUM_ITEMS, dtype=jnp.int64 if jax.config.jax_enable_x64 else jnp.int32)
    inp['user_table'] = jax.random.normal(ks[2], (NUM_USERS, d), dtype=jnp.float32) * 0.02
    inp['item_table'] = jax.random.normal(ks[3], (NUM_ITEMS, d), dtype=jnp.float32) * 0.02
    # user tower MLP: Linear(d, 2d) -> ReLU -> Linear(2d, d)
    inp['uW1'] = jax.random.normal(ks[4], (d, 2 * d), dtype=jnp.float32) * (1.0 / np.sqrt(d))
    inp['ub1'] = jnp.zeros((2 * d,), dtype=jnp.float32)
    inp['uW2'] = jax.random.normal(ks[5], (2 * d, d), dtype=jnp.float32) * (1.0 / np.sqrt(2 * d))
    inp['ub2'] = jnp.zeros((d,), dtype=jnp.float32)
    # item tower MLP
    inp['iW1'] = jax.random.normal(ks[6], (d, 2 * d), dtype=jnp.float32) * (1.0 / np.sqrt(d))
    inp['ib1'] = jnp.zeros((2 * d,), dtype=jnp.float32)
    inp['iW2'] = jax.random.normal(ks[7], (2 * d, d), dtype=jnp.float32) * (1.0 / np.sqrt(2 * d))
    inp['ib2'] = jnp.zeros((d,), dtype=jnp.float32)
    return inp


def _l2_normalize(x, eps=1e-12):
    norm = jnp.sqrt(jnp.sum(x * x, axis=1, keepdims=True))
    return x / jnp.maximum(norm, eps)


def _tower(table, ids, W1, b1, W2, b2):
    emb = jnp.take(table, ids, axis=0)          # embedding lookup (gather)
    h = jnp.maximum(emb @ W1 + b1, 0.0)          # Linear + ReLU
    out = h @ W2 + b2                            # Linear
    return _l2_normalize(out)


def reference(user_ids, item_ids, user_table, item_table, uW1, ub1, uW2, ub2, iW1, ib1, iW2, ib2):
    user_emb = _tower(user_table, user_ids, uW1, ub1, uW2, ub2)
    item_emb = _tower(item_table, item_ids, iW1, ib1, iW2, ib2)
    scores = jnp.sum(user_emb * item_emb, axis=1)
    return scores

if __name__ == "__main__":
    import jax
    _d = setup_inputs()
    print(jax.jit(kernel)(*tuple(_d.values())))

</pallas_src>

<mosaic_0001>
#map = affine_map<(d0, d1) -> (0, 0)>
#map1 = affine_map<(d0, d1) -> (0)>
module attributes {stable_mosaic.version = 14 : i64} {
  func.func @gather_kernel(%arg0: i32, %arg1: i32, %arg2: memref<262144x128xf32, #tpu.memory_space<hbm>>, %arg3: memref<16384xi32, #tpu.memory_space<hbm>>, %arg4: memref<16384x128xf32, #tpu.memory_space<hbm>>, %arg5: memref<512xi32, #tpu.memory_space<vmem>>, %arg6: memref<512x128xf32, #tpu.memory_space<vmem>>, %arg7: memref<!tpu.dma_semaphore, #tpu.memory_space<semaphore_mem>>) attributes {dimension_semantics = [#tpu.dimension_semantics<core_parallel>, #tpu.dimension_semantics<subcore_parallel>], iteration_bounds = array<i64: 2, 16>, scalar_prefetch = 0 : i64, scratch_operands = 3 : i64, tpu.core_type = #tpu.core_type<sc_vector_subcore>, window_params = [{transform_indices = #map}, {transform_indices = #map1}, {transform_indices = #map}]} {
    %mul3A = arith.constant 2 : i32
    %mul3A_0 = arith.muli %arg1, %mul3A : i32
    %add3A = arith.addi %mul3A_0, %arg0 : i32
    %mul3A_1 = arith.constant 512 : i32
    %mul3A_2 = arith.muli %add3A, %mul3A_1 : i32
    "tpu.region"() ({
      %run_scoped3A = tpu.sem_alloc : memref<!tpu.dma_semaphore, #tpu.memory_space<semaphore_mem>>
      %dma_start3A_65 = tpu.memref_slice %arg3[%mul3A_2] : memref<16384xi32, #tpu.memory_space<hbm>> -> memref<512xi32, #tpu.memory_space<hbm>>
      %dma_start3A_66 = tpu.memref_slice %arg3[%mul3A_2] : memref<16384xi32, #tpu.memory_space<hbm>> -> memref<512xi32, #tpu.memory_space<hbm>>
      tpu.enqueue_dma source(%dma_start3A_66 : memref<512xi32, #tpu.memory_space<hbm>>) target(%arg5 : memref<512xi32, #tpu.memory_space<vmem>>) target_semaphore(%run_scoped3A : memref<!tpu.dma_semaphore, #tpu.memory_space<semaphore_mem>>)
      %dma_wait3A_67 = tpu.memref_slice %arg3[%mul3A_2] : memref<16384xi32, #tpu.memory_space<hbm>> -> memref<512xi32, #tpu.memory_space<hbm>>
      %dma_wait3A_68 = tpu.memref_slice %arg3[%mul3A_2] : memref<16384xi32, #tpu.memory_space<hbm>> -> memref<512xi32, #tpu.memory_space<hbm>>
      tpu.wait_dma2 semaphore(%run_scoped3A : memref<!tpu.dma_semaphore, #tpu.memory_space<semaphore_mem>>) src(%dma_wait3A_68 : memref<512xi32, #tpu.memory_space<hbm>>) dst(%arg5 : memref<512xi32, #tpu.memory_space<vmem>>)
      tpu.yield
    }) : () -> ()
    %dma_start3A = arith.constant 0 : i32
    %dma_start3A_3 = arith.constant 0 : i32
    %dma_start3A_4 = tpu.memref_slice %arg6[%dma_start3A, %dma_start3A_3] : memref<512x128xf32, #tpu.memory_space<vmem>> -> memref<128x128xf32, #tpu.memory_space<vmem>>
    %dma_start3A_5 = arith.constant 0 : i32
    %dma_start3A_6 = tpu.memref_slice %arg5[%dma_start3A_5] : memref<512xi32, #tpu.memory_space<vmem>> -> memref<128xi32, #tpu.memory_space<vmem>>
    %dma_start3A_7 = arith.constant 0 : i32
    %dma_start3A_8 = arith.constant 0 : i32
    %dma_start3A_9 = tpu.memref_slice %arg2[%dma_start3A_7, %dma_start3A_8] : memref<262144x128xf32, #tpu.memory_space<hbm>> -> memref<262144x128xf32, #tpu.memory_space<hbm>>
    tpu.enqueue_indirect_dma source(%dma_start3A_9 : memref<262144x128xf32, #tpu.memory_space<hbm>>) target(%dma_start3A_4 : memref<128x128xf32, #tpu.memory_space<vmem>>) offsets(%dma_start3A_6 : memref<128xi32, #tpu.memory_space<vmem>>) semaphore(%arg7 : memref<!tpu.dma_semaphore, #tpu.memory_space<semaphore_mem>>)
    %dma_start3A_10 = arith.constant 128 : i32
    %dma_start3A_11 = arith.constant 0 : i32
    %dma_start3A_12 = tpu.memref_slice %arg6[%dma_start3A_10, %dma_start3A_11] : memref<512x128xf32, #tpu.memory_space<vmem>> -> memref<128x128xf32, #tpu.memory_space<vmem>>
    %dma_start3A_13 = arith.constant 128 : i32
    %dma_start3A_14 = tpu.memref_slice %arg5[%dma_start3A_13] : memref<512xi32, #tpu.memory_space<vmem>> -> memref<128xi32, #tpu.memory_space<vmem>>
    %dma_start3A_15 = arith.constant 0 : i32
    %dma_start3A_16 = arith.constant 0 : i32
    %dma_start3A_17 = tpu.memref_slice %arg2[%dma_start3A_15, %dma_start3A_16] : memref<262144x128xf32, #tpu.memory_space<hbm>> -> memref<262144x128xf32, #tpu.memory_space<hbm>>
    tpu.enqueue_indirect_dma source(%dma_start3A_17 : memref<262144x128xf32, #tpu.memory_space<hbm>>) target(%dma_start3A_12 : memref<128x128xf32, #tpu.memory_space<vmem>>) offsets(%dma_start3A_14 : memref<128xi32, #tpu.memory_space<vmem>>) semaphore(%arg7 : memref<!tpu.dma_semaphore, #tpu.memory_space<semaphore_mem>>)
    %dma_start3A_18 = arith.constant 256 : i32
    %dma_start3A_19 = arith.constant 0 : i32
    %dma_start3A_20 = tpu.memref_slice %arg6[%dma_start3A_18, %dma_start3A_19] : memref<512x128xf32, #tpu.memory_space<vmem>> -> memref<128x128xf32, #tpu.memory_space<vmem>>
    %dma_start3A_21 = arith.constant 256 : i32
    %dma_start3A_22 = tpu.memref_slice %arg5[%dma_start3A_21] : memref<512xi32, #tpu.memory_space<vmem>> -> memref<128xi32, #tpu.memory_space<vmem>>
    %dma_start3A_23 = arith.constant 0 : i32
    %dma_start3A_24 = arith.constant 0 : i32
    %dma_start3A_25 = tpu.memref_slice %arg2[%dma_start3A_23, %dma_start3A_24] : memref<262144x128xf32, #tpu.memory_space<hbm>> -> memref<262144x128xf32, #tpu.memory_space<hbm>>
    tpu.enqueue_indirect_dma source(%dma_start3A_25 : memref<262144x128xf32, #tpu.memory_space<hbm>>) target(%dma_start3A_20 : memref<128x128xf32, #tpu.memory_space<vmem>>) offsets(%dma_start3A_22 : memref<128xi32, #tpu.memory_space<vmem>>) semaphore(%arg7 : memref<!tpu.dma_semaphore, #tpu.memory_space<semaphore_mem>>)
    %dma_start3A_26 = arith.constant 384 : i32
    %dma_start3A_27 = arith.constant 0 : i32
    %dma_start3A_28 = tpu.memref_slice %arg6[%dma_start3A_26, %dma_start3A_27] : memref<512x128xf32, #tpu.memory_space<vmem>> -> memref<128x128xf32, #tpu.memory_space<vmem>>
    %dma_start3A_29 = arith.constant 384 : i32
    %dma_start3A_30 = tpu.memref_slice %arg5[%dma_start3A_29] : memref<512xi32, #tpu.memory_space<vmem>> -> memref<128xi32, #tpu.memory_space<vmem>>
    %dma_start3A_31 = arith.constant 0 : i32
    %dma_start3A_32 = arith.constant 0 : i32
    %dma_start3A_33 = tpu.memref_slice %arg2[%dma_start3A_31, %dma_start3A_32] : memref<262144x128xf32, #tpu.memory_space<hbm>> -> memref<262144x128xf32, #tpu.memory_space<hbm>>
    tpu.enqueue_indirect_dma source(%dma_start3A_33 : memref<262144x128xf32, #tpu.memory_space<hbm>>) target(%dma_start3A_28 : memref<128x128xf32, #tpu.memory_space<vmem>>) offsets(%dma_start3A_30 : memref<128xi32, #tpu.memory_space<vmem>>) semaphore(%arg7 : memref<!tpu.dma_semaphore, #tpu.memory_space<semaphore_mem>>)
    %dma_wait3A = arith.constant 0 : i32
    %dma_wait3A_34 = arith.constant 0 : i32
    %dma_wait3A_35 = tpu.memref_slice %arg6[%dma_wait3A, %dma_wait3A_34] : memref<512x128xf32, #tpu.memory_space<vmem>> -> memref<128x128xf32, #tpu.memory_space<vmem>>
    %dma_wait3A_36 = arith.constant 0 : i32
    %dma_wait3A_37 = tpu.memref_slice %arg5[%dma_wait3A_36] : memref<512xi32, #tpu.memory_space<vmem>> -> memref<128xi32, #tpu.memory_space<vmem>>
    %dma_wait3A_38 = arith.constant 0 : i32
    %dma_wait3A_39 = arith.constant 0 : i32
    %dma_wait3A_40 = tpu.memref_slice %arg2[%dma_wait3A_38, %dma_wait3A_39] : memref<262144x128xf32, #tpu.memory_space<hbm>> -> memref<262144x128xf32, #tpu.memory_space<hbm>>
    tpu.wait_indirect_dma semaphore(%arg7 : memref<!tpu.dma_semaphore, #tpu.memory_space<semaphore_mem>>) src(%dma_wait3A_40 : memref<262144x128xf32, #tpu.memory_space<hbm>>) dst(%dma_wait3A_35 : memref<128x128xf32, #tpu.memory_space<vmem>>)
    %dma_wait3A_41 = arith.constant 128 : i32
    %dma_wait3A_42 = arith.constant 0 : i32
    %dma_wait3A_43 = tpu.memref_slice %arg6[%dma_wait3A_41, %dma_wait3A_42] : memref<512x128xf32, #tpu.memory_space<vmem>> -> memref<128x128xf32, #tpu.memory_space<vmem>>
    %dma_wait3A_44 = arith.constant 128 : i32
    %dma_wait3A_45 = tpu.memref_slice %arg5[%dma_wait3A_44] : memref<512xi32, #tpu.memory_space<vmem>> -> memref<128xi32, #tpu.memory_space<vmem>>
    %dma_wait3A_46 = arith.constant 0 : i32
    %dma_wait3A_47 = arith.constant 0 : i32
    %dma_wait3A_48 = tpu.memref_slice %arg2[%dma_wait3A_46, %dma_wait3A_47] : memref<262144x128xf32, #tpu.memory_space<hbm>> -> memref<262144x128xf32, #tpu.memory_space<hbm>>
    tpu.wait_indirect_dma semaphore(%arg7 : memref<!tpu.dma_semaphore, #tpu.memory_space<semaphore_mem>>) src(%dma_wait3A_48 : memref<262144x128xf32, #tpu.memory_space<hbm>>) dst(%dma_wait3A_43 : memref<128x128xf32, #tpu.memory_space<vmem>>)
    %dma_wait3A_49 = arith.constant 256 : i32
    %dma_wait3A_50 = arith.constant 0 : i32
    %dma_wait3A_51 = tpu.memref_slice %arg6[%dma_wait3A_49, %dma_wait3A_50] : memref<512x128xf32, #tpu.memory_space<vmem>> -> memref<128x128xf32, #tpu.memory_space<vmem>>
    %dma_wait3A_52 = arith.constant 256 : i32
    %dma_wait3A_53 = tpu.memref_slice %arg5[%dma_wait3A_52] : memref<512xi32, #tpu.memory_space<vmem>> -> memref<128xi32, #tpu.memory_space<vmem>>
    %dma_wait3A_54 = arith.constant 0 : i32
    %dma_wait3A_55 = arith.constant 0 : i32
    %dma_wait3A_56 = tpu.memref_slice %arg2[%dma_wait3A_54, %dma_wait3A_55] : memref<262144x128xf32, #tpu.memory_space<hbm>> -> memref<262144x128xf32, #tpu.memory_space<hbm>>
    tpu.wait_indirect_dma semaphore(%arg7 : memref<!tpu.dma_semaphore, #tpu.memory_space<semaphore_mem>>) src(%dma_wait3A_56 : memref<262144x128xf32, #tpu.memory_space<hbm>>) dst(%dma_wait3A_51 : memref<128x128xf32, #tpu.memory_space<vmem>>)
    %dma_wait3A_57 = arith.constant 384 : i32
    %dma_wait3A_58 = arith.constant 0 : i32
    %dma_wait3A_59 = tpu.memref_slice %arg6[%dma_wait3A_57, %dma_wait3A_58] : memref<512x128xf32, #tpu.memory_space<vmem>> -> memref<128x128xf32, #tpu.memory_space<vmem>>
    %dma_wait3A_60 = arith.constant 384 : i32
    %dma_wait3A_61 = tpu.memref_slice %arg5[%dma_wait3A_60] : memref<512xi32, #tpu.memory_space<vmem>> -> memref<128xi32, #tpu.memory_space<vmem>>
    %dma_wait3A_62 = arith.constant 0 : i32
    %dma_wait3A_63 = arith.constant 0 : i32
    %dma_wait3A_64 = tpu.memref_slice %arg2[%dma_wait3A_62, %dma_wait3A_63] : memref<262144x128xf32, #tpu.memory_space<hbm>> -> memref<262144x128xf32, #tpu.memory_space<hbm>>
    tpu.wait_indirect_dma semaphore(%arg7 : memref<!tpu.dma_semaphore, #tpu.memory_space<semaphore_mem>>) src(%dma_wait3A_64 : memref<262144x128xf32, #tpu.memory_space<hbm>>) dst(%dma_wait3A_59 : memref<128x128xf32, #tpu.memory_space<vmem>>)
    "tpu.region"() ({
      %run_scoped3A = tpu.sem_alloc : memref<!tpu.dma_semaphore, #tpu.memory_space<semaphore_mem>>
      %dma_start3A_65 = arith.constant 0 : i32
      %dma_start3A_66 = tpu.memref_slice %arg4[%mul3A_2, %dma_start3A_65] : memref<16384x128xf32, #tpu.memory_space<hbm>> -> memref<512x128xf32, #tpu.memory_space<hbm>>
      %dma_start3A_67 = arith.constant 0 : i32
      %dma_start3A_68 = tpu.memref_slice %arg4[%mul3A_2, %dma_start3A_67] : memref<16384x128xf32, #tpu.memory_space<hbm>> -> memref<512x128xf32, #tpu.memory_space<hbm>>
      tpu.enqueue_dma source(%arg6 : memref<512x128xf32, #tpu.memory_space<vmem>>) target(%dma_start3A_68 : memref<512x128xf32, #tpu.memory_space<hbm>>) target_semaphore(%run_scoped3A : memref<!tpu.dma_semaphore, #tpu.memory_space<semaphore_mem>>)
      %dma_wait3A_69 = arith.constant 0 : i32
      %dma_wait3A_70 = tpu.memref_slice %arg4[%mul3A_2, %dma_wait3A_69] : memref<16384x128xf32, #tpu.memory_space<hbm>> -> memref<512x128xf32, #tpu.memory_space<hbm>>
      %dma_wait3A_71 = arith.constant 0 : i32
      %dma_wait3A_72 = tpu.memref_slice %arg4[%mul3A_2, %dma_wait3A_71] : memref<16384x128xf32, #tpu.memory_space<hbm>> -> memref<512x128xf32, #tpu.memory_space<hbm>>
      tpu.wait_dma2 semaphore(%run_scoped3A : memref<!tpu.dma_semaphore, #tpu.memory_space<semaphore_mem>>) src(%arg6 : memref<512x128xf32, #tpu.memory_space<vmem>>) dst(%dma_wait3A_72 : memref<512x128xf32, #tpu.memory_space<hbm>>)
      tpu.yield
    }) : () -> ()
    return
  }
}

#map = affine_map<(d0, d1) -> (0, 0)>
#map1 = affine_map<(d0, d1) -> (0)>
module attributes {stable_mosaic.version = 14 : i64} {
  func.func @gather_kernel(%arg0: i32, %arg1: i32, %arg2: memref<262144x128xf32, #tpu.memory_space<hbm>>, %arg3: memref<16384xi32, #tpu.memory_space<hbm>>, %arg4: memref<16384x128xf32, #tpu.memory_space<hbm>>, %arg5: memref<512xi32, #tpu.memory_space<vmem>>, %arg6: memref<512x128xf32, #tpu.memory_space<vmem>>, %arg7: memref<!tpu.dma_semaphore, #tpu.memory_space<semaphore_mem>>) attributes {dimension_semantics = [#tpu.dimension_semantics<core_parallel>, #tpu.dimension_semantics<subcore_parallel>], iteration_bounds = array<i64: 2, 16>, scalar_prefetch = 0 : i64, scratch_operands = 3 : i64, tpu.core_type = #tpu.core_type<sc_vector_subcore>, window_params = [{transform_indices = #map}, {transform_indices = #map1}, {transform_indices = #map}]} {
    %mul3A = arith.constant 2 : i32
    %mul3A_0 = arith.muli %arg1, %mul3A : i32
    %add3A = arith.addi %mul3A_0, %arg0 : i32
    %mul3A_1 = arith.constant 512 : i32
    %mul3A_2 = arith.muli %add3A, %mul3A_1 : i32
    "tpu.region"() ({
      %run_scoped3A = tpu.sem_alloc : memref<!tpu.dma_semaphore, #tpu.memory_space<semaphore_mem>>
      %dma_start3A_65 = tpu.memref_slice %arg3[%mul3A_2] : memref<16384xi32, #tpu.memory_space<hbm>> -> memref<512xi32, #tpu.memory_space<hbm>>
      %dma_start3A_66 = tpu.memref_slice %arg3[%mul3A_2] : memref<16384xi32, #tpu.memory_space<hbm>> -> memref<512xi32, #tpu.memory_space<hbm>>
      tpu.enqueue_dma source(%dma_start3A_66 : memref<512xi32, #tpu.memory_space<hbm>>) target(%arg5 : memref<512xi32, #tpu.memory_space<vmem>>) target_semaphore(%run_scoped3A : memref<!tpu.dma_semaphore, #tpu.memory_space<semaphore_mem>>)
      %dma_wait3A_67 = tpu.memref_slice %arg3[%mul3A_2] : memref<16384xi32, #tpu.memory_space<hbm>> -> memref<512xi32, #tpu.memory_space<hbm>>
      %dma_wait3A_68 = tpu.memref_slice %arg3[%mul3A_2] : memref<16384xi32, #tpu.memory_space<hbm>> -> memref<512xi32, #tpu.memory_space<hbm>>
      tpu.wait_dma2 semaphore(%run_scoped3A : memref<!tpu.dma_semaphore, #tpu.memory_space<semaphore_mem>>) src(%dma_wait3A_68 : memref<512xi32, #tpu.memory_space<hbm>>) dst(%arg5 : memref<512xi32, #tpu.memory_space<vmem>>)
      tpu.yield
    }) : () -> ()
    %dma_start3A = arith.constant 0 : i32
    %dma_start3A_3 = arith.constant 0 : i32
    %dma_start3A_4 = tpu.memref_slice %arg6[%dma_start3A, %dma_start3A_3] : memref<512x128xf32, #tpu.memory_space<vmem>> -> memref<128x128xf32, #tpu.memory_space<vmem>>
    %dma_start3A_5 = arith.constant 0 : i32
    %dma_start3A_6 = tpu.memref_slice %arg5[%dma_start3A_5] : memref<512xi32, #tpu.memory_space<vmem>> -> memref<128xi32, #tpu.memory_space<vmem>>
    %dma_start3A_7 = arith.constant 0 : i32
    %dma_start3A_8 = arith.constant 0 : i32
    %dma_start3A_9 = tpu.memref_slice %arg2[%dma_start3A_7, %dma_start3A_8] : memref<262144x128xf32, #tpu.memory_space<hbm>> -> memref<262144x128xf32, #tpu.memory_space<hbm>>
    tpu.enqueue_indirect_dma source(%dma_start3A_9 : memref<262144x128xf32, #tpu.memory_space<hbm>>) target(%dma_start3A_4 : memref<128x128xf32, #tpu.memory_space<vmem>>) offsets(%dma_start3A_6 : memref<128xi32, #tpu.memory_space<vmem>>) semaphore(%arg7 : memref<!tpu.dma_semaphore, #tpu.memory_space<semaphore_mem>>)
    %dma_start3A_10 = arith.constant 128 : i32
    %dma_start3A_11 = arith.constant 0 : i32
    %dma_start3A_12 = tpu.memref_slice %arg6[%dma_start3A_10, %dma_start3A_11] : memref<512x128xf32, #tpu.memory_space<vmem>> -> memref<128x128xf32, #tpu.memory_space<vmem>>
    %dma_start3A_13 = arith.constant 128 : i32
    %dma_start3A_14 = tpu.memref_slice %arg5[%dma_start3A_13] : memref<512xi32, #tpu.memory_space<vmem>> -> memref<128xi32, #tpu.memory_space<vmem>>
    %dma_start3A_15 = arith.constant 0 : i32
    %dma_start3A_16 = arith.constant 0 : i32
    %dma_start3A_17 = tpu.memref_slice %arg2[%dma_start3A_15, %dma_start3A_16] : memref<262144x128xf32, #tpu.memory_space<hbm>> -> memref<262144x128xf32, #tpu.memory_space<hbm>>
    tpu.enqueue_indirect_dma source(%dma_start3A_17 : memref<262144x128xf32, #tpu.memory_space<hbm>>) target(%dma_start3A_12 : memref<128x128xf32, #tpu.memory_space<vmem>>) offsets(%dma_start3A_14 : memref<128xi32, #tpu.memory_space<vmem>>) semaphore(%arg7 : memref<!tpu.dma_semaphore, #tpu.memory_space<semaphore_mem>>)
    %dma_start3A_18 = arith.constant 256 : i32
    %dma_start3A_19 = arith.constant 0 : i32
    %dma_start3A_20 = tpu.memref_slice %arg6[%dma_start3A_18, %dma_start3A_19] : memref<512x128xf32, #tpu.memory_space<vmem>> -> memref<128x128xf32, #tpu.memory_space<vmem>>
    %dma_start3A_21 = arith.constant 256 : i32
    %dma_start3A_22 = tpu.memref_slice %arg5[%dma_start3A_21] : memref<512xi32, #tpu.memory_space<vmem>> -> memref<128xi32, #tpu.memory_space<vmem>>
    %dma_start3A_23 = arith.constant 0 : i32
    %dma_start3A_24 = arith.constant 0 : i32
    %dma_start3A_25 = tpu.memref_slice %arg2[%dma_start3A_23, %dma_start3A_24] : memref<262144x128xf32, #tpu.memory_space<hbm>> -> memref<262144x128xf32, #tpu.memory_space<hbm>>
    tpu.enqueue_indirect_dma source(%dma_start3A_25 : memref<262144x128xf32, #tpu.memory_space<hbm>>) target(%dma_start3A_20 : memref<128x128xf32, #tpu.memory_space<vmem>>) offsets(%dma_start3A_22 : memref<128xi32, #tpu.memory_space<vmem>>) semaphore(%arg7 : memref<!tpu.dma_semaphore, #tpu.memory_space<semaphore_mem>>)
    %dma_start3A_26 = arith.constant 384 : i32
    %dma_start3A_27 = arith.constant 0 : i32
    %dma_start3A_28 = tpu.memref_slice %arg6[%dma_start3A_26, %dma_start3A_27] : memref<512x128xf32, #tpu.memory_space<vmem>> -> memref<128x128xf32, #tpu.memory_space<vmem>>
    %dma_start3A_29 = arith.constant 384 : i32
    %dma_start3A_30 = tpu.memref_slice %arg5[%dma_start3A_29] : memref<512xi32, #tpu.memory_space<vmem>> -> memref<128xi32, #tpu.memory_space<vmem>>
    %dma_start3A_31 = arith.constant 0 : i32
    %dma_start3A_32 = arith.constant 0 : i32
    %dma_start3A_33 = tpu.memref_slice %arg2[%dma_start3A_31, %dma_start3A_32] : memref<262144x128xf32, #tpu.memory_space<hbm>> -> memref<262144x128xf32, #tpu.memory_space<hbm>>
    tpu.enqueue_indirect_dma source(%dma_start3A_33 : memref<262144x128xf32, #tpu.memory_space<hbm>>) target(%dma_start3A_28 : memref<128x128xf32, #tpu.memory_space<vmem>>) offsets(%dma_start3A_30 : memref<128xi32, #tpu.memory_space<vmem>>) semaphore(%arg7 : memref<!tpu.dma_semaphore, #tpu.memory_space<semaphore_mem>>)
    %dma_wait3A = arith.constant 0 : i32
    %dma_wait3A_34 = arith.constant 0 : i32
    %dma_wait3A_35 = tpu.memref_slice %arg6[%dma_wait3A, %dma_wait3A_34] : memref<512x128xf32, #tpu.memory_space<vmem>> -> memref<128x128xf32, #tpu.memory_space<vmem>>
    %dma_wait3A_36 = arith.constant 0 : i32
    %dma_wait3A_37 = tpu.memref_slice %arg5[%dma_wait3A_36] : memref<512xi32, #tpu.memory_space<vmem>> -> memref<128xi32, #tpu.memory_space<vmem>>
    %dma_wait3A_38 = arith.constant 0 : i32
    %dma_wait3A_39 = arith.constant 0 : i32
    %dma_wait3A_40 = tpu.memref_slice %arg2[%dma_wait3A_38, %dma_wait3A_39] : memref<262144x128xf32, #tpu.memory_space<hbm>> -> memref<262144x128xf32, #tpu.memory_space<hbm>>
    tpu.wait_indirect_dma semaphore(%arg7 : memref<!tpu.dma_semaphore, #tpu.memory_space<semaphore_mem>>) src(%dma_wait3A_40 : memref<262144x128xf32, #tpu.memory_space<hbm>>) dst(%dma_wait3A_35 : memref<128x128xf32, #tpu.memory_space<vmem>>)
    %dma_wait3A_41 = arith.constant 128 : i32
    %dma_wait3A_42 = arith.constant 0 : i32
    %dma_wait3A_43 = tpu.memref_slice %arg6[%dma_wait3A_41, %dma_wait3A_42] : memref<512x128xf32, #tpu.memory_space<vmem>> -> memref<128x128xf32, #tpu.memory_space<vmem>>
    %dma_wait3A_44 = arith.constant 128 : i32
    %dma_wait3A_45 = tpu.memref_slice %arg5[%dma_wait3A_44] : memref<512xi32, #tpu.memory_space<vmem>> -> memref<128xi32, #tpu.memory_space<vmem>>
    %dma_wait3A_46 = arith.constant 0 : i32
    %dma_wait3A_47 = arith.constant 0 : i32
    %dma_wait3A_48 = tpu.memref_slice %arg2[%dma_wait3A_46, %dma_wait3A_47] : memref<262144x128xf32, #tpu.memory_space<hbm>> -> memref<262144x128xf32, #tpu.memory_space<hbm>>
    tpu.wait_indirect_dma semaphore(%arg7 : memref<!tpu.dma_semaphore, #tpu.memory_space<semaphore_mem>>) src(%dma_wait3A_48 : memref<262144x128xf32, #tpu.memory_space<hbm>>) dst(%dma_wait3A_43 : memref<128x128xf32, #tpu.memory_space<vmem>>)
    %dma_wait3A_49 = arith.constant 256 : i32
    %dma_wait3A_50 = arith.constant 0 : i32
    %dma_wait3A_51 = tpu.memref_slice %arg6[%dma_wait3A_49, %dma_wait3A_50] : memref<512x128xf32, #tpu.memory_space<vmem>> -> memref<128x128xf32, #tpu.memory_space<vmem>>
    %dma_wait3A_52 = arith.constant 256 : i32
    %dma_wait3A_53 = tpu.memref_slice %arg5[%dma_wait3A_52] : memref<512xi32, #tpu.memory_space<vmem>> -> memref<128xi32, #tpu.memory_space<vmem>>
    %dma_wait3A_54 = arith.constant 0 : i32
    %dma_wait3A_55 = arith.constant 0 : i32
    %dma_wait3A_56 = tpu.memref_slice %arg2[%dma_wait3A_54, %dma_wait3A_55] : memref<262144x128xf32, #tpu.memory_space<hbm>> -> memref<262144x128xf32, #tpu.memory_space<hbm>>
    tpu.wait_indirect_dma semaphore(%arg7 : memref<!tpu.dma_semaphore, #tpu.memory_space<semaphore_mem>>) src(%dma_wait3A_56 : memref<262144x128xf32, #tpu.memory_space<hbm>>) dst(%dma_wait3A_51 : memref<128x128xf32, #tpu.memory_space<vmem>>)
    %dma_wait3A_57 = arith.constant 384 : i32
    %dma_wait3A_58 = arith.constant 0 : i32
    %dma_wait3A_59 = tpu.memref_slice %arg6[%dma_wait3A_57, %dma_wait3A_58] : memref<512x128xf32, #tpu.memory_space<vmem>> -> memref<128x128xf32, #tpu.memory_space<vmem>>
    %dma_wait3A_60 = arith.constant 384 : i32
    %dma_wait3A_61 = tpu.memref_slice %arg5[%dma_wait3A_60] : memref<512xi32, #tpu.memory_space<vmem>> -> memref<128xi32, #tpu.memory_space<vmem>>
    %dma_wait3A_62 = arith.constant 0 : i32
    %dma_wait3A_63 = arith.constant 0 : i32
    %dma_wait3A_64 = tpu.memref_slice %arg2[%dma_wait3A_62, %dma_wait3A_63] : memref<262144x128xf32, #tpu.memory_space<hbm>> -> memref<262144x128xf32, #tpu.memory_space<hbm>>
    tpu.wait_indirect_dma semaphore(%arg7 : memref<!tpu.dma_semaphore, #tpu.memory_space<semaphore_mem>>) src(%dma_wait3A_64 : memref<262144x128xf32, #tpu.memory_space<hbm>>) dst(%dma_wait3A_59 : memref<128x128xf32, #tpu.memory_space<vmem>>)
    "tpu.region"() ({
      %run_scoped3A = tpu.sem_alloc : memref<!tpu.dma_semaphore, #tpu.memory_space<semaphore_mem>>
      %dma_start3A_65 = arith.constant 0 : i32
      %dma_start3A_66 = tpu.memref_slice %arg4[%mul3A_2, %dma_start3A_65] : memref<16384x128xf32, #tpu.memory_space<hbm>> -> memref<512x128xf32, #tpu.memory_space<hbm>>
      %dma_start3A_67 = arith.constant 0 : i32
      %dma_start3A_68 = tpu.memref_slice %arg4[%mul3A_2, %dma_start3A_67] : memref<16384x128xf32, #tpu.memory_space<hbm>> -> memref<512x128xf32, #tpu.memory_space<hbm>>
      tpu.enqueue_dma source(%arg6 : memref<512x128xf32, #tpu.memory_space<vmem>>) target(%dma_start3A_68 : memref<512x128xf32, #tpu.memory_space<hbm>>) target_semaphore(%run_scoped3A : memref<!tpu.dma_semaphore, #tpu.memory_space<semaphore_mem>>)
      %dma_wait3A_69 = arith.constant 0 : i32
      %dma_wait3A_70 = tpu.memref_slice %arg4[%mul3A_2, %dma_wait3A_69] : memref<16384x128xf32, #tpu.memory_space<hbm>> -> memref<512x128xf32, #tpu.memory_space<hbm>>
      %dma_wait3A_71 = arith.constant 0 : i32
      %dma_wait3A_72 = tpu.memref_slice %arg4[%mul3A_2, %dma_wait3A_71] : memref<16384x128xf32, #tpu.memory_space<hbm>> -> memref<512x128xf32, #tpu.memory_space<hbm>>
      tpu.wait_dma2 semaphore(%run_scoped3A : memref<!tpu.dma_semaphore, #tpu.memory_space<semaphore_mem>>) src(%arg6 : memref<512x128xf32, #tpu.memory_space<vmem>>) dst(%dma_wait3A_72 : memref<512x128xf32, #tpu.memory_space<hbm>>)
      tpu.yield
    }) : () -> ()
    return
  }
}

module attributes {stable_mosaic.version = 14 : i64} {
  func.func @_towers_kernel(%arg0: i32, %arg1: memref<2048x128xf32, #tpu.memory_space<vmem>>, %arg2: memref<2048x128xf32, #tpu.memory_space<vmem>>, %arg3: memref<2048x1xf32, #tpu.memory_space<vmem>>, %arg4: memref<2048x1xf32, #tpu.memory_space<vmem>>, %arg5: memref<2048x1xf32, #tpu.memory_space<vmem>>, %arg6: memref<2048x1xf32, #tpu.memory_space<vmem>>, %arg7: memref<64x128xf32, #tpu.memory_space<vmem>>, %arg8: memref<1x128xf32, #tpu.memory_space<vmem>>, %arg9: memref<128x64xf32, #tpu.memory_space<vmem>>, %arg10: memref<1x64xf32, #tpu.memory_space<vmem>>, %arg11: memref<64x128xf32, #tpu.memory_space<vmem>>, %arg12: memref<1x128xf32, #tpu.memory_space<vmem>>, %arg13: memref<128x64xf32, #tpu.memory_space<vmem>>, %arg14: memref<1x64xf32, #tpu.memory_space<vmem>>, %arg15: memref<2048xf32, #tpu.memory_space<vmem>>) attributes {dimension_semantics = [#tpu.dimension_semantics<parallel>], iteration_bounds = array<i64: 8>, scalar_prefetch = 0 : i64, scratch_operands = 0 : i64, tpu.core_type = #tpu.core_type<tc>, window_params = [{transform_indices = @transform_0, window_bounds = array<i64: 2048, 128>}, {transform_indices = @transform_1, window_bounds = array<i64: 2048, 128>}, {transform_indices = @transform_2, window_bounds = array<i64: 2048, 1>}, {transform_indices = @transform_3, window_bounds = array<i64: 2048, 1>}, {transform_indices = @transform_4, window_bounds = array<i64: 2048, 1>}, {transform_indices = @transform_5, window_bounds = array<i64: 2048, 1>}, {pipeline_mode = #tpu.pipeline_mode<synchronous>, transform_indices = @transform_6, window_bounds = array<i64: 64, 128>}, {pipeline_mode = #tpu.pipeline_mode<synchronous>, transform_indices = @transform_7, window_bounds = array<i64: 1, 128>}, {pipeline_mode = #tpu.pipeline_mode<synchronous>, transform_indices = @transform_8, window_bounds = array<i64: 128, 64>}, {pipeline_mode = #tpu.pipeline_mode<synchronous>, transform_indices = @transform_9, window_bounds = array<i64: 1, 64>}, {pipeline_mode = #tpu.pipeline_mode<synchronous>, transform_indices = @transform_10, window_bounds = array<i64: 64, 128>}, {pipeline_mode = #tpu.pipeline_mode<synchronous>, transform_indices = @transform_11, window_bounds = array<i64: 1, 128>}, {pipeline_mode = #tpu.pipeline_mode<synchronous>, transform_indices = @transform_12, window_bounds = array<i64: 128, 64>}, {pipeline_mode = #tpu.pipeline_mode<synchronous>, transform_indices = @transform_13, window_bounds = array<i64: 1, 64>}, {transform_indices = @transform_14, window_bounds = array<i64: 2048>}]} {
    %get3A = arith.constant 0 : index
    %get3A_0 = arith.constant 0 : index
    %get3A_1 = vector.load %arg1[%get3A, %get3A_0] : memref<2048x128xf32, #tpu.memory_space<vmem>>, vector<2048x128xf32>
    %get3A_2 = arith.constant 0 : index
    %get3A_3 = arith.constant 0 : index
    %get3A_4 = vector.load %arg3[%get3A_2, %get3A_3] : memref<2048x1xf32, #tpu.memory_space<vmem>>, vector<2048x1xf32>
    %get3A_5 = arith.constant 0 : index
    %get3A_6 = arith.constant 0 : index
    %get3A_7 = vector.load %arg4[%get3A_5, %get3A_6] : memref<2048x1xf32, #tpu.memory_space<vmem>>, vector<2048x1xf32>
    %get3A_8 = arith.constant 0 : index
    %get3A_9 = arith.constant 0 : index
    %get3A_10 = vector.load %arg7[%get3A_8, %get3A_9] : memref<64x128xf32, #tpu.memory_space<vmem>>, vector<64x128xf32>
    %get3A_11 = arith.constant 0 : index
    %get3A_12 = arith.constant 0 : index
    %get3A_13 = vector.load %arg8[%get3A_11, %get3A_12] : memref<1x128xf32, #tpu.memory_space<vmem>>, vector<1x128xf32>
    %get3A_14 = arith.constant 0 : index
    %get3A_15 = arith.constant 0 : index
    %get3A_16 = vector.load %arg9[%get3A_14, %get3A_15] : memref<128x64xf32, #tpu.memory_space<vmem>>, vector<128x64xf32>
    %get3A_17 = arith.constant 0 : index
    %get3A_18 = arith.constant 0 : index
    %get3A_19 = vector.load %arg10[%get3A_17, %get3A_18] : memref<1x64xf32, #tpu.memory_space<vmem>>, vector<1x64xf32>
    %bitcast_convert_type3A = tpu.bitcast %get3A_1 : vector<2048x128xf32> -> vector<2048x128xi32>
    %and3A = arith.constant -65536 : i32
    %and3A_20 = vector.broadcast %and3A : i32 to vector<2048x128xi32>
    %and3A_21 = arith.andi %bitcast_convert_type3A, %and3A_20 : vector<2048x128xi32>
    %bitcast_convert_type3A_22 = tpu.bitcast %and3A_21 : vector<2048x128xi32> -> vector<2048x128xf32>
    %shift_left3A = arith.constant 16 : i32
    %shift_left3A_23 = vector.broadcast %shift_left3A : i32 to vector<2048x128xi32>
    %shift_left3A_24 = arith.shli %bitcast_convert_type3A, %shift_left3A_23 : vector<2048x128xi32>
    %bitcast_convert_type3A_25 = tpu.bitcast %shift_left3A_24 : vector<2048x128xi32> -> vector<2048x128xf32>
    %sub3A = arith.subf %bitcast_convert_type3A_25, %bitcast_convert_type3A_22 : vector<2048x128xf32>
    %mul3A = vector.broadcast %get3A_4 : vector<2048x1xf32> to vector<2048x128xf32>
    %mul3A_26 = arith.mulf %mul3A, %sub3A : vector<2048x128xf32>
    %add3A = arith.addf %bitcast_convert_type3A_22, %mul3A_26 : vector<2048x128xf32>
    %slice3A = vector.extract_strided_slice %add3A {offsets = [0, 0], sizes = [2048, 64], strides = [1, 1]} : vector<2048x128xf32> to vector<2048x64xf32>
    %slice3A_27 = vector.extract_strided_slice %add3A {offsets = [0, 64], sizes = [2048, 64], strides = [1, 1]} : vector<2048x128xf32> to vector<2048x64xf32>
    %slice3A_28 = vector.extract_strided_slice %add3A {offsets = [0, 0], sizes = [2048, 64], strides = [1, 1]} : vector<2048x128xf32> to vector<2048x64xf32>
    %sub3A_29 = arith.subf %slice3A_27, %slice3A_28 : vector<2048x64xf32>
    %mul3A_30 = vector.broadcast %get3A_7 : vector<2048x1xf32> to vector<2048x64xf32>
    %mul3A_31 = arith.mulf %mul3A_30, %sub3A_29 : vector<2048x64xf32>
    %add3A_32 = arith.addf %slice3A, %mul3A_31 : vector<2048x64xf32>
    %dot_general3A = arith.constant dense<0.000000e+00> : vector<2048x128xf32>
    %dot_general3A_33 = tpu.matmul %add3A_32, %get3A_10, %dot_general3A {dimension_numbers = #tpu.dot_dimension_numbers<[1], [0], [0], [1], [0, 0, 1, 1], [], []>, transpose_lhs_hint = false} : vector<2048x64xf32>, vector<64x128xf32>, vector<2048x128xf32> -> vector<2048x128xf32>
    %add3A_34 = vector.broadcast %get3A_13 : vector<1x128xf32> to vector<2048x128xf32>
    %add3A_35 = arith.addf %dot_general3A_33, %add3A_34 : vector<2048x128xf32>
    %max3A = arith.constant 0.000000e+00 : f32
    %max3A_36 = vector.broadcast %max3A : f32 to vector<2048x128xf32>
    %max3A_37 = arith.maximumf %add3A_35, %max3A_36 : vector<2048x128xf32>
    %dot_general3A_38 = arith.constant dense<0.000000e+00> : vector<2048x64xf32>
    %dot_general3A_39 = tpu.matmul %max3A_37, %get3A_16, %dot_general3A_38 {dimension_numbers = #tpu.dot_dimension_numbers<[1], [0], [0], [1], [0, 0, 1, 1], [], []>, transpose_lhs_hint = false} : vector<2048x128xf32>, vector<128x64xf32>, vector<2048x64xf32> -> vector<2048x64xf32>
    %add3A_40 = vector.broadcast %get3A_19 : vector<1x64xf32> to vector<2048x64xf32>
    %add3A_41 = arith.addf %dot_general3A_39, %add3A_40 : vector<2048x64xf32>
    %mul3A_42 = arith.mulf %add3A_41, %add3A_41 : vector<2048x64xf32>
    %reduce_sum3A = arith.constant dense<0.000000e+00> : vector<2048xf32>
    %reduce_sum3A_43 = vector.multi_reduction <add>, %mul3A_42, %reduce_sum3A [1] : vector<2048x64xf32> to vector<2048xf32>
    %broadcast_in_dim3A = vector.shape_cast %reduce_sum3A_43 : vector<2048xf32> to vector<2048x1xf32>
    %sqrt3A = math.sqrt %broadcast_in_dim3A : vector<2048x1xf32>
    %max3A_44 = arith.constant 9.99999996E-13 : f32
    %max3A_45 = vector.broadcast %max3A_44 : f32 to vector<2048x1xf32>
    %max3A_46 = arith.maximumf %sqrt3A, %max3A_45 : vector<2048x1xf32>
    %div3A = vector.broadcast %max3A_46 : vector<2048x1xf32> to vector<2048x64xf32>
    %div3A_47 = arith.divf %add3A_41, %div3A : vector<2048x64xf32>
    %get3A_48 = arith.constant 0 : index
    %get3A_49 = arith.constant 0 : index
    %get3A_50 = vector.load %arg2[%get3A_48, %get3A_49] : memref<2048x128xf32, #tpu.memory_space<vmem>>, vector<2048x128xf32>
    %get3A_51 = arith.constant 0 : index
    %get3A_52 = arith.constant 0 : index
    %get3A_53 = vector.load %arg5[%get3A_51, %get3A_52] : memref<2048x1xf32, #tpu.memory_space<vmem>>, vector<2048x1xf32>
    %get3A_54 = arith.constant 0 : index
    %get3A_55 = arith.constant 0 : index
    %get3A_56 = vector.load %arg6[%get3A_54, %get3A_55] : memref<2048x1xf32, #tpu.memory_space<vmem>>, vector<2048x1xf32>
    %get3A_57 = arith.constant 0 : index
    %get3A_58 = arith.constant 0 : index
    %get3A_59 = vector.load %arg11[%get3A_57, %get3A_58] : memref<64x128xf32, #tpu.memory_space<vmem>>, vector<64x128xf32>
    %get3A_60 = arith.constant 0 : index
    %get3A_61 = arith.constant 0 : index
    %get3A_62 = vector.load %arg12[%get3A_60, %get3A_61] : memref<1x128xf32, #tpu.memory_space<vmem>>, vector<1x128xf32>
    %get3A_63 = arith.constant 0 : index
    %get3A_64 = arith.constant 0 : index
    %get3A_65 = vector.load %arg13[%get3A_63, %get3A_64] : memref<128x64xf32, #tpu.memory_space<vmem>>, vector<128x64xf32>
    %get3A_66 = arith.constant 0 : index
    %get3A_67 = arith.constant 0 : index
    %get3A_68 = vector.load %arg14[%get3A_66, %get3A_67] : memref<1x64xf32, #tpu.memory_space<vmem>>, vector<1x64xf32>
    %bitcast_convert_type3A_69 = tpu.bitcast %get3A_50 : vector<2048x128xf32> -> vector<2048x128xi32>
    %and3A_70 = arith.constant -65536 : i32
    %and3A_71 = vector.broadcast %and3A_70 : i32 to vector<2048x128xi32>
    %and3A_72 = arith.andi %bitcast_convert_type3A_69, %and3A_71 : vector<2048x128xi32>
    %bitcast_convert_type3A_73 = tpu.bitcast %and3A_72 : vector<2048x128xi32> -> vector<2048x128xf32>
    %shift_left3A_74 = arith.constant 16 : i32
    %shift_left3A_75 = vector.broadcast %shift_left3A_74 : i32 to vector<2048x128xi32>
    %shift_left3A_76 = arith.shli %bitcast_convert_type3A_69, %shift_left3A_75 : vector<2048x128xi32>
    %bitcast_convert_type3A_77 = tpu.bitcast %shift_left3A_76 : vector<2048x128xi32> -> vector<2048x128xf32>
    %sub3A_78 = arith.subf %bitcast_convert_type3A_77, %bitcast_convert_type3A_73 : vector<2048x128xf32>
    %mul3A_79 = vector.broadcast %get3A_53 : vector<2048x1xf32> to vector<2048x128xf32>
    %mul3A_80 = arith.mulf %mul3A_79, %sub3A_78 : vector<2048x128xf32>
    %add3A_81 = arith.addf %bitcast_convert_type3A_73, %mul3A_80 : vector<2048x128xf32>
    %slice3A_82 = vector.extract_strided_slice %add3A_81 {offsets = [0, 0], sizes = [2048, 64], strides = [1, 1]} : vector<2048x128xf32> to vector<2048x64xf32>
    %slice3A_83 = vector.extract_strided_slice %add3A_81 {offsets = [0, 64], sizes = [2048, 64], strides = [1, 1]} : vector<2048x128xf32> to vector<2048x64xf32>
    %slice3A_84 = vector.extract_strided_slice %add3A_81 {offsets = [0, 0], sizes = [2048, 64], strides = [1, 1]} : vector<2048x128xf32> to vector<2048x64xf32>
    %sub3A_85 = arith.subf %slice3A_83, %slice3A_84 : vector<2048x64xf32>
    %mul3A_86 = vector.broadcast %get3A_56 : vector<2048x1xf32> to vector<2048x64xf32>
    %mul3A_87 = arith.mulf %mul3A_86, %sub3A_85 : vector<2048x64xf32>
    %add3A_88 = arith.addf %slice3A_82, %mul3A_87 : vector<2048x64xf32>
    %dot_general3A_89 = arith.constant dense<0.000000e+00> : vector<2048x128xf32>
    %dot_general3A_90 = tpu.matmul %add3A_88, %get3A_59, %dot_general3A_89 {dimension_numbers = #tpu.dot_dimension_numbers<[1], [0], [0], [1], [0, 0, 1, 1], [], []>, transpose_lhs_hint = false} : vector<2048x64xf32>, vector<64x128xf32>, vector<2048x128xf32> -> vector<2048x128xf32>
    %add3A_91 = vector.broadcast %get3A_62 : vector<1x128xf32> to vector<2048x128xf32>
    %add3A_92 = arith.addf %dot_general3A_90, %add3A_91 : vector<2048x128xf32>
    %max3A_93 = arith.constant 0.000000e+00 : f32
    %max3A_94 = vector.broadcast %max3A_93 : f32 to vector<2048x128xf32>
    %max3A_95 = arith.maximumf %add3A_92, %max3A_94 : vector<2048x128xf32>
    %dot_general3A_96 = arith.constant dense<0.000000e+00> : vector<2048x64xf32>
    %dot_general3A_97 = tpu.matmul %max3A_95, %get3A_65, %dot_general3A_96 {dimension_numbers = #tpu.dot_dimension_numbers<[1], [0], [0], [1], [0, 0, 1, 1], [], []>, transpose_lhs_hint = false} : vector<2048x128xf32>, vector<128x64xf32>, vector<2048x64xf32> -> vector<2048x64xf32>
    %add3A_98 = vector.broadcast %get3A_68 : vector<1x64xf32> to vector<2048x64xf32>
    %add3A_99 = arith.addf %dot_general3A_97, %add3A_98 : vector<2048x64xf32>
    %mul3A_100 = arith.mulf %add3A_99, %add3A_99 : vector<2048x64xf32>
    %reduce_sum3A_101 = arith.constant dense<0.000000e+00> : vector<2048xf32>
    %reduce_sum3A_102 = vector.multi_reduction <add>, %mul3A_100, %reduce_sum3A_101 [1] : vector<2048x64xf32> to vector<2048xf32>
    %broadcast_in_dim3A_103 = vector.shape_cast %reduce_sum3A_102 : vector<2048xf32> to vector<2048x1xf32>
    %sqrt3A_104 = math.sqrt %broadcast_in_dim3A_103 : vector<2048x1xf32>
    %max3A_105 = arith.constant 9.99999996E-13 : f32
    %max3A_106 = vector.broadcast %max3A_105 : f32 to vector<2048x1xf32>
    %max3A_107 = arith.maximumf %sqrt3A_104, %max3A_106 : vector<2048x1xf32>
    %div3A_108 = vector.broadcast %max3A_107 : vector<2048x1xf32> to vector<2048x64xf32>
    %div3A_109 = arith.divf %add3A_99, %div3A_108 : vector<2048x64xf32>
    %mul3A_110 = arith.mulf %div3A_47, %div3A_109 : vector<2048x64xf32>
    %reduce_sum3A_111 = arith.constant dense<0.000000e+00> : vector<2048xf32>
    %reduce_sum3A_112 = vector.multi_reduction <add>, %mul3A_110, %reduce_sum3A_111 [1] : vector<2048x64xf32> to vector<2048xf32>
    %swap3A = arith.constant 0 : index
    %swap3A_113 = vector.load %arg15[%swap3A] : memref<2048xf32, #tpu.memory_space<vmem>>, vector<2048xf32>
    tpu.vector_store %arg15[%swap3A], %reduce_sum3A_112 {strides = array<i32>} : memref<2048xf32, #tpu.memory_space<vmem>>, vector<2048xf32>,
    return
  }
  func.func @transform_0(%arg0: i32) -> (i32, i32) {
    %c0_i32 = arith.constant 0 : i32
    %c0_i32_0 = arith.constant 0 : i32
    return %arg0, %c0_i32 : i32, i32
  }
  func.func @transform_1(%arg0: i32) -> (i32, i32) {
    %c0_i32 = arith.constant 0 : i32
    %c0_i32_0 = arith.constant 0 : i32
    return %arg0, %c0_i32 : i32, i32
  }
  func.func @transform_2(%arg0: i32) -> (i32, i32) {
    %c0_i32 = arith.constant 0 : i32
    %c0_i32_0 = arith.constant 0 : i32
    return %arg0, %c0_i32 : i32, i32
  }
  func.func @transform_3(%arg0: i32) -> (i32, i32) {
    %c0_i32 = arith.constant 0 : i32
    %c0_i32_0 = arith.constant 0 : i32
    return %arg0, %c0_i32 : i32, i32
  }
  func.func @transform_4(%arg0: i32) -> (i32, i32) {
    %c0_i32 = arith.constant 0 : i32
    %c0_i32_0 = arith.constant 0 : i32
    return %arg0, %c0_i32 : i32, i32
  }
  func.func @transform_5(%arg0: i32) -> (i32, i32) {
    %c0_i32 = arith.constant 0 : i32
    %c0_i32_0 = arith.constant 0 : i32
    return %arg0, %c0_i32 : i32, i32
  }
  func.func @transform_6(%arg0: i32) -> (i32, i32) {
    %c0_i32 = arith.constant 0 : i32
    %c0_i32_0 = arith.constant 0 : i32
    %c0_i32_1 = arith.constant 0 : i32
    return %c0_i32, %c0_i32_0 : i32, i32
  }
  func.func @transform_7(%arg0: i32) -> (i32, i32) {
    %c0_i32 = arith.constant 0 : i32
    %c0_i32_0 = arith.constant 0 : i32
    %c0_i32_1 = arith.constant 0 : i32
    return %c0_i32, %c0_i32_0 : i32, i32
  }
  func.func @transform_8(%arg0: i32) -> (i32, i32) {
    %c0_i32 = arith.constant 0 : i32
    %c0_i32_0 = arith.constant 0 : i32
    %c0_i32_1 = arith.constant 0 : i32
    return %c0_i32, %c0_i32_0 : i32, i32
  }
  func.func @transform_9(%arg0: i32) -> (i32, i32) {
    %c0_i32 = arith.constant 0 : i32
    %c0_i32_0 = arith.constant 0 : i32
    %c0_i32_1 = arith.constant 0 : i32
    return %c0_i32, %c0_i32_0 : i32, i32
  }
  func.func @transform_10(%arg0: i32) -> (i32, i32) {
    %c0_i32 = arith.constant 0 : i32
    %c0_i32_0 = arith.constant 0 : i32
    %c0_i32_1 = arith.constant 0 : i32
    return %c0_i32, %c0_i32_0 : i32, i32
  }
  func.func @transform_11(%arg0: i32) -> (i32, i32) {
    %c0_i32 = arith.constant 0 : i32
    %c0_i32_0 = arith.constant 0 : i32
    %c0_i32_1 = arith.constant 0 : i32
    return %c0_i32, %c0_i32_0 : i32, i32
  }
  func.func @transform_12(%arg0: i32) -> (i32, i32) {
    %c0_i32 = arith.constant 0 : i32
    %c0_i32_0 = arith.constant 0 : i32
    %c0_i32_1 = arith.constant 0 : i32
    return %c0_i32, %c0_i32_0 : i32, i32
  }
  func.func @transform_13(%arg0: i32) -> (i32, i32) {
    %c0_i32 = arith.constant 0 : i32
    %c0_i32_0 = arith.constant 0 : i32
    %c0_i32_1 = arith.constant 0 : i32
    return %c0_i32, %c0_i32_0 : i32, i32
  }
  func.func @transform_14(%arg0: i32) -> i32 {
    %c0_i32 = arith.constant 0 : i32
    return %arg0 : i32
  }
}

module attributes {stable_mosaic.version = 14 : i64} {
  func.func @_retile_kernel(%arg0: i32, %arg1: memref<64x8192xf32, #tpu.memory_space<vmem>>, %arg2: memref<64x8192xf32, #tpu.memory_space<vmem>>, %arg3: memref<64x8192xf32, #tpu.memory_space<vmem>>, %arg4: memref<64x8192xf32, #tpu.memory_space<vmem>>, %arg5: memref<8192x128xf32, #tpu.memory_space<vmem>>) attributes {dimension_semantics = [#tpu.dimension_semantics<parallel>], iteration_bounds = array<i64: 32>, scalar_prefetch = 0 : i64, scratch_operands = 0 : i64, tpu.core_type = #tpu.core_type<tc>, window_params = [{transform_indices = @transform_0, window_bounds = array<i64: 64, 8192>}, {transform_indices = @transform_1, window_bounds = array<i64: 64, 8192>}, {transform_indices = @transform_2, window_bounds = array<i64: 64, 8192>}, {transform_indices = @transform_3, window_bounds = array<i64: 64, 8192>}, {transform_indices = @transform_4, window_bounds = array<i64: 8192, 128>}]} {
    %iota3A = tpu.iota {dimensions = array<i32: 0>} : vector<64x64xi32>
    %iota3A_0 = tpu.iota {dimensions = array<i32: 1>} : vector<64x64xi32>
    %add3A = arith.constant 0 : i32
    %add3A_1 = vector.broadcast %add3A : i32 to vector<64x64xi32>
    %add3A_2 = arith.addi %iota3A, %add3A_1 : vector<64x64xi32>
    %eq3A = arith.cmpi eq, %add3A_2, %iota3A_0 : vector<64x64xi32>
    %convert_element_type3A = arith.extui %eq3A : vector<64x64xi1> to vector<64x64xi32>
    %convert_element_type3A_3 = arith.sitofp %convert_element_type3A : vector<64x64xi32> to vector<64x64xf32>
    %get3A = arith.constant 0 : index
    %get3A_4 = arith.constant 0 : index
    %get3A_5 = vector.load %arg1[%get3A, %get3A_4] : memref<64x8192xf32, #tpu.memory_space<vmem>>, vector<64x8192xf32>
    %dot_general3A = arith.constant dense<0.000000e+00> : vector<8192x64xf32>
    %dot_general3A_6 = tpu.matmul %get3A_5, %convert_element_type3A_3, %dot_general3A {dimension_numbers = #tpu.dot_dimension_numbers<[0], [0], [1], [1], [0, 1, 1, 1], [], []>, transpose_lhs_hint = false} : vector<64x8192xf32>, vector<64x64xf32>, vector<8192x64xf32> -> vector<8192x64xf32>
    %get3A_7 = arith.constant 0 : index
    %get3A_8 = arith.constant 0 : index
    %get3A_9 = vector.load %arg2[%get3A_7, %get3A_8] : memref<64x8192xf32, #tpu.memory_space<vmem>>, vector<64x8192xf32>
    %dot_general3A_10 = arith.constant dense<0.000000e+00> : vector<8192x64xf32>
    %dot_general3A_11 = tpu.matmul %get3A_9, %convert_element_type3A_3, %dot_general3A_10 {dimension_numbers = #tpu.dot_dimension_numbers<[0], [0], [1], [1], [0, 1, 1, 1], [], []>, transpose_lhs_hint = false} : vector<64x8192xf32>, vector<64x64xf32>, vector<8192x64xf32> -> vector<8192x64xf32>
    %bitcast_convert_type3A = tpu.bitcast %dot_general3A_6 : vector<8192x64xf32> -> vector<8192x64xi32>
    %add3A_12 = arith.constant 32768 : i32
    %add3A_13 = vector.broadcast %add3A_12 : i32 to vector<8192x64xi32>
    %add3A_14 = arith.addi %bitcast_convert_type3A, %add3A_13 : vector<8192x64xi32>
    %bitcast_convert_type3A_15 = tpu.bitcast %dot_general3A_11 : vector<8192x64xf32> -> vector<8192x64xi32>
    %add3A_16 = arith.constant 32768 : i32
    %add3A_17 = vector.broadcast %add3A_16 : i32 to vector<8192x64xi32>
    %add3A_18 = arith.addi %bitcast_convert_type3A_15, %add3A_17 : vector<8192x64xi32>
    %and3A = arith.constant -65536 : i32
    %and3A_19 = vector.broadcast %and3A : i32 to vector<8192x64xi32>
    %and3A_20 = arith.andi %add3A_14, %and3A_19 : vector<8192x64xi32>
    %shift_right_logical3A = arith.constant 16 : i32
    %shift_right_logical3A_21 = vector.broadcast %shift_right_logical3A : i32 to vector<8192x64xi32>
    %shift_right_logical3A_22 = arith.shrui %add3A_18, %shift_right_logical3A_21 : vector<8192x64xi32>
    %or3A = arith.ori %and3A_20, %shift_right_logical3A_22 : vector<8192x64xi32>
    %bitcast_convert_type3A_23 = tpu.bitcast %or3A : vector<8192x64xi32> -> vector<8192x64xf32>
    %get3A_24 = arith.constant 0 : index
    %get3A_25 = arith.constant 0 : index
    %get3A_26 = vector.load %arg3[%get3A_24, %get3A_25] : memref<64x8192xf32, #tpu.memory_space<vmem>>, vector<64x8192xf32>
    %dot_general3A_27 = arith.constant dense<0.000000e+00> : vector<8192x64xf32>
    %dot_general3A_28 = tpu.matmul %get3A_26, %convert_element_type3A_3, %dot_general3A_27 {dimension_numbers = #tpu.dot_dimension_numbers<[0], [0], [1], [1], [0, 1, 1, 1], [], []>, transpose_lhs_hint = false} : vector<64x8192xf32>, vector<64x64xf32>, vector<8192x64xf32> -> vector<8192x64xf32>
    %get3A_29 = arith.constant 0 : index
    %get3A_30 = arith.constant 0 : index
    %get3A_31 = vector.load %arg4[%get3A_29, %get3A_30] : memref<64x8192xf32, #tpu.memory_space<vmem>>, vector<64x8192xf32>
    %dot_general3A_32 = arith.constant dense<0.000000e+00> : vector<8192x64xf32>
    %dot_general3A_33 = tpu.matmul %get3A_31, %convert_element_type3A_3, %dot_general3A_32 {dimension_numbers = #tpu.dot_dimension_numbers<[0], [0], [1], [1], [0, 1, 1, 1], [], []>, transpose_lhs_hint = false} : vector<64x8192xf32>, vector<64x64xf32>, vector<8192x64xf32> -> vector<8192x64xf32>
    %bitcast_convert_type3A_34 = tpu.bitcast %dot_general3A_28 : vector<8192x64xf32> -> vector<8192x64xi32>
    %add3A_35 = arith.constant 32768 : i32
    %add3A_36 = vector.broadcast %add3A_35 : i32 to vector<8192x64xi32>
    %add3A_37 = arith.addi %bitcast_convert_type3A_34, %add3A_36 : vector<8192x64xi32>
    %bitcast_convert_type3A_38 = tpu.bitcast %dot_general3A_33 : vector<8192x64xf32> -> vector<8192x64xi32>
    %add3A_39 = arith.constant 32768 : i32
    %add3A_40 = vector.broadcast %add3A_39 : i32 to vector<8192x64xi32>
    %add3A_41 = arith.addi %bitcast_convert_type3A_38, %add3A_40 : vector<8192x64xi32>
    %and3A_42 = arith.constant -65536 : i32
    %and3A_43 = vector.broadcast %and3A_42 : i32 to vector<8192x64xi32>
    %and3A_44 = arith.andi %add3A_37, %and3A_43 : vector<8192x64xi32>
    %shift_right_logical3A_45 = arith.constant 16 : i32
    %shift_right_logical3A_46 = vector.broadcast %shift_right_logical3A_45 : i32 to vector<8192x64xi32>
    %shift_right_logical3A_47 = arith.shrui %add3A_41, %shift_right_logical3A_46 : vector<8192x64xi32>
    %or3A_48 = arith.ori %and3A_44, %shift_right_logical3A_47 : vector<8192x64xi32>
    %bitcast_convert_type3A_49 = tpu.bitcast %or3A_48 : vector<8192x64xi32> -> vector<8192x64xf32>
    %concatenate3A = tpu.concatenate %bitcast_convert_type3A_23, %bitcast_convert_type3A_49 in 1 : vector<8192x64xf32>, vector<8192x64xf32> -> vector<8192x128xf32>
    %swap3A = arith.constant 0 : index
    %swap3A_50 = arith.constant 0 : index
    %swap3A_51 = vector.load %arg5[%swap3A, %swap3A_50] : memref<8192x128xf32, #tpu.memory_space<vmem>>, vector<8192x128xf32>
    tpu.vector_store %arg5[%swap3A, %swap3A_50], %concatenate3A {strides = array<i32>} : memref<8192x128xf32, #tpu.memory_space<vmem>>, vector<8192x128xf32>,
    return
  }
  func.func @transform_0(%arg0: i32) -> (i32, i32) {
    %add3A = arith.constant 0 : i32
    %add3A_0 = arith.addi %arg0, %add3A : i32
    %min3A = arith.constant 122 : i32
    %min3A_1 = arith.minsi %add3A_0, %min3A : i32
    %c0_i32 = arith.constant 0 : i32
    %c0_i32_2 = arith.constant 0 : i32
    return %c0_i32, %min3A_1 : i32, i32
  }
  func.func @transform_1(%arg0: i32) -> (i32, i32) {
    %add3A = arith.constant 32 : i32
    %add3A_0 = arith.addi %arg0, %add3A : i32
    %min3A = arith.constant 122 : i32
    %min3A_1 = arith.minsi %add3A_0, %min3A : i32
    %c0_i32 = arith.constant 0 : i32
    %c0_i32_2 = arith.constant 0 : i32
    return %c0_i32, %min3A_1 : i32, i32
  }
  func.func @transform_2(%arg0: i32) -> (i32, i32) {
    %add3A = arith.constant 64 : i32
    %add3A_0 = arith.addi %arg0, %add3A : i32
    %min3A = arith.constant 122 : i32
    %min3A_1 = arith.minsi %add3A_0, %min3A : i32
    %c0_i32 = arith.constant 0 : i32
    %c0_i32_2 = arith.constant 0 : i32
    return %c0_i32, %min3A_1 : i32, i32
  }
  func.func @transform_3(%arg0: i32) -> (i32, i32) {
    %add3A = arith.constant 96 : i32
    %add3A_0 = arith.addi %arg0, %add3A : i32
    %min3A = arith.constant 122 : i32
    %min3A_1 = arith.minsi %add3A_0, %min3A : i32
    %c0_i32 = arith.constant 0 : i32
    %c0_i32_2 = arith.constant 0 : i32
    return %c0_i32, %min3A_1 : i32, i32
  }
  func.func @transform_4(%arg0: i32) -> (i32, i32) {
    %c0_i32 = arith.constant 0 : i32
    %c0_i32_0 = arith.constant 0 : i32
    return %arg0, %c0_i32 : i32, i32
  }
}

</mosaic_0001>

<sc_bundles>
// kernel: kernel.10.cloned.1.call-start
scs
__scs_entry_jumppad:
0x0: {  	(pc) =	sbr.rel $0x88, $3  }
0x1: {  	(tag) =	ssettag $0x0;
	lr =	simm.s32 $0x1  }
0x2: {  	[smem:$0x3F95] =	sst lr;
	_ =	strace $0xD0000000  }
0x3: {  	_ = 	snop  }
0x4: {  	_ = 	snop  }
0x5: {  	_ = 	snop  }
0x6: {  	_ = 	snop  }
0x7: {  	_ = 	snop  }
__scs_overlays_trampoline_lowered:
0x8: {  	[smem:$0x3FA4] =	sst s0  }
0x9: {  	[smem:$0x3FA5] =	sst s1  }
0xa: {  	[smem:$0x3FA6] =	sst s2  }
0xb: {  	[smem:$0x3FA7] =	sst s3  }
0xc: {  	[smem:$0x3FA8] =	sst s4  }
0xd: {  	[smem:$0x3FA9] =	sst s5  }
0xe: {  	[smem:$0x3FAA] =	sst s6  }
0xf: {  	[smem:$0x3FAB] =	sst s7  }
0x10: {  	[smem:$0x3FAC] =	sst s8  }
0x11: {  	[smem:$0x3FAD] =	sst s9;
	s0 =	simm.s32 @!p0 $0x0  }
0x12: {  	s1 =	sld [smem:$0x3F93];
	s0 =	simm.s32 @p0 $0x1  }
0x13: {  	[smem:$0x3FAE] =	sst s0;
	s0 =	simm.s32 @!p1 $0x0  }
0x14: {  	s2 =	sld [smem:$0x3F92];
	s0 =	simm.s32 @p1 $0x1  }
0x15: {  	[smem:$0x3FAF] =	sst s0;
	s0 =	simm.s32 @!p2 $0x0  }
0x16: {  	s3 =	sld [smem:$0x3FDB];
	s0 =	simm.s32 @p2 $0x1  }
0x17: {  	s4 =	simm.s32 $0x1BF5;
	[smem:$0x3FB1] =	sst s0  }
0x18: {  	s0 =	sld [smem:$0x3F94];
	_ =	swait.ge [sflag:s4], $0x0  }
0x19: {  	s7 =	sld [smem:$0x3F95]  }
0x1a: {  	s8 =	sadd.s32 $0xFFFFE003, lr  }
0x1b: {  	s9 =	sadd.s32 $0xFFFFFEF7, lr;
	s5 =	simm.s32 $0xFFFFFFFF;
	p2 =	slt.u32 s8, $0xFFFFF086  }
0x1c: {  	p1 =	slt.u32 s9, $0xF7A;
	s5 =	simm.s32 @!p2 $0x0  }
0x1d: {  	s5 =	simm.s32 @p1 $0x1;
	p0 =	seq.s32 s7, s2  }
0x1e: {  	s7 =	smul.u32 @!p0 $0xF7A, s2;
	p2 =	seq.s32 @!p0 s5, $0x0  }
0x1f: {  	s9 =	smul.u32 $0xF7A, s1;
	s8 =	simm.s32 @!p0 $0x1BF5;
	p2 =	por !p2, p0  }
0x20: {  	[sflag:s8] =	ssyncset.s32 @!p0 $0xFFFFF086;
	s6 =	sadd.s32 @!p0 s3, s7;
	s7 =	simm.s32 @!p0 $0x108  }
0x21: {  	s3 =	sadd.s32 s3, s9;
	s6 =	sadd.s32 @!p0 $0x88, s6;
	s7 =	simm.s32 @p2 $0x1082  }
0x22: {  	[simem:s7], [sflag:s8] =	dma.local @!p0 [hbm:s6], $0xF7A  }
0x23: {  	s9 =	sor.u32 $0xD0000000, s2;
	s6 =	simm.s32 $0x108;
	_ =	swait.ge @!p0 [sflag:s8], $0x0  }
0x24: {  	s3 =	sadd.s32 $0x88, s3;
	s6 =	simm.s32 @!p1 $0x1082;
	[sflag:s4] =	ssyncset.s32 $0xFFFFF086  }
0x25: {  	[simem:s6], [sflag:s4] =	dma.local [hbm:s3], $0xF7A  }
0x26: {  	[smem:$0x3F95] =	sst s1;
	(tag) =	ssettag s2;
	_ =	strace s9  }
0x27: {  	s1 =	sld [smem:$0x3FA5]  }
0x28: {  	s2 =	sld [smem:$0x3FA6]  }
0x29: {  	s4 =	sld [smem:$0x3FA8]  }
0x2a: {  	p0 =	seq.s32 s5, $0x0;
	s5 =	sld [smem:$0x3FA9]  }
0x2b: {  	s6 =	sld [smem:$0x3FAA]  }
0x2c: {  	s7 =	sld [smem:$0x3FAB]  }
0x2d: {  	s3 =	simm.s32 $0x108;
	s8 =	sld [smem:$0x3FAC]  }
0x2e: {  	s3 =	simm.s32 @!p0 $0x1082;
	s9 =	sld [smem:$0x3FAD]  }
0x2f: {  	lr =	sadd.s32 s0, s3;
	s0 =	sld [smem:$0x3FA4]  }
0x30: {  	s3 =	sld [smem:$0x3FA7]  }
0x31: {  	[smem:$0x3FB0] =	sst s10  }
0x32: {  	s10 =	sld [smem:$0x3FAE];
	_ =	sdelay $0x3  }
0x33: {  	p0 =	seq.s32 s10, $0x1;
	s10 =	sld [smem:$0x3FB0];
	_ =	sdelay $0x3  }
0x34: {  	[smem:$0x3FB0] =	sst s10  }
0x35: {  	s10 =	sld [smem:$0x3FAF];
	_ =	sdelay $0x3  }
0x36: {  	p1 =	seq.s32 s10, $0x1;
	s10 =	sld [smem:$0x3FB0];
	_ =	sdelay $0x3  }
0x37: {  	[smem:$0x3FB0] =	sst s10  }
0x38: {  	s10 =	sld [smem:$0x3FB1]  }
0x39: {  	_ = 	snop;
	(pc) =	sbr.ind lr, $3  }
0x3a: {  	_ = 	snop  }
0x3b: {  	_ = 	snop  }
0x3c: {  	p2 =	seq.s32 s10, $0x1;
	s10 =	sld [smem:$0x3FB0]  }
0x3d: {  	_ =	shalt  }
0x3e: {  	_ =	shalt  }
0x3f: {  	_ =	shalt  }
0x40: {  	_ =	shalt  }
0x41: {  	_ =	shalt  }
0x42: {  	_ =	shalt  }
0x43: {  	_ =	shalt  }
0x44: {  	_ =	shalt  }
0x45: {  	_ =	shalt  }
0x46: {  	_ =	shalt  }
0x47: {  	_ =	shalt  }
0x48: {  	_ =	shalt  }
0x49: {  	_ =	shalt  }
0x4a: {  	_ =	shalt  }
0x4b: {  	_ =	shalt  }
0x4c: {  	_ =	shalt  }
0x4d: {  	_ =	shalt  }
0x4e: {  	_ =	shalt  }
0x4f: {  	_ =	shalt  }
0x50: {  	_ =	shalt  }
0x51: {  	_ =	shalt  }
0x52: {  	_ =	shalt  }
0x53: {  	_ =	shalt  }
0x54: {  	_ =	shalt  }
0x55: {  	_ =	shalt  }
0x56: {  	_ =	shalt  }
0x57: {  	_ =	shalt  }
0x58: {  	_ =	shalt  }
0x59: {  	_ =	shalt  }
0x5a: {  	_ =	shalt  }
0x5b: {  	_ =	shalt  }
0x5c: {  	_ =	shalt  }
0x5d: {  	_ =	shalt  }
0x5e: {  	_ =	shalt  }
0x5f: {  	_ =	shalt  }
0x60: {  	_ =	shalt  }
0x61: {  	_ =	shalt  }
0x62: {  	_ =	shalt  }
0x63: {  	_ =	shalt  }
0x64: {  	_ =	shalt  }
0x65: {  	_ =	shalt  }
0x66: {  	_ =	shalt  }
0x67: {  	_ =	shalt  }
0x68: {  	_ =	shalt  }
0x69: {  	_ =	shalt  }
0x6a: {  	_ =	shalt  }
0x6b: {  	_ =	shalt  }
0x6c: {  	_ =	shalt  }
0x6d: {  	_ =	shalt  }
0x6e: {  	_ =	shalt  }
0x6f: {  	_ =	shalt  }
0x70: {  	_ =	shalt  }
0x71: {  	_ =	shalt  }
0x72: {  	_ =	shalt  }
0x73: {  	_ =	shalt  }
0x74: {  	_ =	shalt  }
0x75: {  	_ =	shalt  }
0x76: {  	_ =	shalt  }
0x77: {  	_ =	shalt  }
0x78: {  	_ =	shalt  }
0x79: {  	_ =	shalt  }
0x7a: {  	_ =	shalt  }
0x7b: {  	_ =	shalt  }
0x7c: {  	_ =	shalt  }
0x7d: {  	_ =	shalt  }
0x7e: {  	_ =	shalt  }
0x7f: {  	_ =	shalt  }
0x80: {  	_ =	shalt  }
0x81: {  	_ =	shalt  }
0x82: {  	_ =	shalt  }
0x83: {  	_ =	shalt  }
0x84: {  	_ =	shalt  }
0x85: {  	_ =	shalt  }
0x86: {  	_ =	shalt  }
0x87: {  	_ =	shalt  }
.Lfunc_end0:
.L_simem_size_0:
called_computation.1_lowered:
.L_overlay_start_0:
0x88: {  	s2 =	sld [smem:$0x3FD9]  }
0x89: {  	s3 =	sld [smem:$0x3FFE];
	_ =	sdelay $0x1  }
0x8a: {  	s1 =	srdreg.scid  }
0x8b: {  	s0 =	sand.u32 $0x1, s1  }
0x8c: {  	s16 =	sshll.u32 s0, $0xA;
	s2 =	sadd.s32 s3, s2  }
0x8d: {  	s2 =	sadd.s32 s2, s16  }
0x8e: {  	[smem:$0x3FBC] =	sst s2  }
0x8f: {  	_ = 	snop  }
0x90: {  	(tm) =	ssettm $0x1  }
0x91: {  	s17 =	sld [smem:$0x3FFB];
	_ =	sdelay $0x3  }
0x92: {  	_ =	strace s17  }
0x93: {  	s2 =	sld [smem:$0x3FFC];
	_ =	sdelay $0x3  }
0x94: {  	_ =	strace s2  }
0x95: {  	s2 =	sld [smem:$0x3FFD];
	_ =	sdelay $0x3  }
0x96: {  	_ =	strace s2  }
0x97: {  	_ =	strace $0x8FFFFFFF  }
0x98: {  	s18 =	sld [smem:$0x3FDB];
	_ =	sdelay $0x1  }
0x99: {  	s19 =	simm.s32 $_scs_section_size  }
0x9a: {  	s4 =	simm.s32 $_size__tile_overlayer_lowered;
	s5 =	simm.s32 $_tile_overlayer_lowered  }
0x9b: {  	s22 =	simm.s32 $0x1BFF;
	s21 =	sshll.u32 s5, $0x1;
	s2 =	sadd.s32 s19, s18  }
0x9c: {  	s6 =	simm.s32 $0x0;
	s20 =	sshll.u32 s4, $0x1;
	s4 =	sadd.s32 s21, s2  }
0x9d: {  	[timem:s6], [sflag:s22] =	dma.local [hbm:s4], s20  }
0x9e: {  	_ =	swait.ge [sflag:s22], s20  }
0x9f: {  	s3 =	ssub.s32 $0x0, s20;
	[sflag:s22] =	ssyncset.done $0x0  }
0xa0: {  	[sflag:s22] =	ssyncadd.s32 s3;
	_ =	sdelay $0x1  }
0xa1: {  	s23 =	simm.s32 $0x1B8B  }
0xa2: {  	_ =	swait.ge [sflag:s23], $0x1  }
0xa3: {  	[sflag:s23] =	ssyncset.done $0x0  }
0xa4: {  	s25 =	simm.s32 $0x1B8E;
	s24 =	sld [smem:$0x3FFE];
	[sflag:s23] =	ssyncadd.s32 $0xFFFFFFFF  }
0xa5: {  	s26 =	simm.s32 $execute0_lowered;
	[smem:$0x3FD2] =	sst s25  }
0xa6: {  	s4 =	sshll.u32 s26, $0x1;
	_ =	strace $0x80000046;
	[dreg:$0x1] =	wrdreg $0xFFFFFFFF  }
0xa7: {  	s28 =	simm.s32 $_size_execute0_lowered;
	s2 =	sadd.s32 s2, s4;
	[dreg:$0x0] =	wrdreg $0x0  }
0xa8: {  	s4 =	sshll.u32 s28, $0x1;
	[dreg:$0x2] =	wrdreg s2  }
0xa9: {  	[dreg:$0x3] =	wrdreg s4  }
0xaa: {  	[dreg:$0x4] =	wrdreg $0xC0  }
0xab: {  	_ =	task [dreg:s6], $0x5FFFF  }
0xac: {  	[dreg:$0x1] =	wrdreg $0xFFFFFFFF  }
0xad: {  	[dreg:$0x0] =	wrdreg $0x60  }
0xae: {  	[dreg:$0x2] =	wrdreg s24  }
0xaf: {  	[dreg:$0x3] =	wrdreg $0xA  }
0xb0: {  	_ =	task.clear_ibuf [dreg:s6], $0x4FFFF;
	_ =	strace $0x90000046  }
0xb1: {  	s29 =	simm.s32 $0xA;
	_ =	strace $0x80000048  }
0xb2: {  	_ =	swait.ge [sflag:s29], $0x1  }
0xb3: {  	[sflag:s29] =	ssyncadd.s32 $0xFFFFFFFF  }
0xb4: {  	_ =	strace $0x90000048  }
0xb5: {  	_ =	sfence  }
0xb6: {  	s30 =	sld [smem:$0x0];
	_ =	sdelay $0x2  }
0xb7: {  	s31 =	sshll.u32 s1, $0xD;
	s1 =	sshrl.u32 s1, $0x2  }
0xb8: {  	s3 =	sand.u32 $0x4000, s31;
	s1 =	sadd.s32 s1, s30  }
0xb9: {  	s0 =	sor.u32 s3, s0;
	s1 =	sshll.u32 s1, $0x11  }
0xba: {  	s0 =	sor.u32 s1, s0  }
0xbb: {  	s0 =	sadd.s32 $0x8F2B, s0  }
0xbc: {  	[sflag:s0] =	ssyncadd.remote.s32 $0x1  }
0xbd: {  	_ =	sfence.sel $0xFFFF  }
0xbe: {  	[dreg:$0x0] =	wrdreg $0xFFFFFFFF;
	(pc) =	sbr.abs _section_cstart, $3  }
0xbf: {  	[dreg:$0x1] =	wrdreg $0xFFFFFFFF  }
0xc0: {  	_ =	task.clear_ibuf [dreg:s6], $0x2FFFF;
	_ =	strace $0x9FFFFFFF  }
0xc1: {  	(tm) =	ssettm $0x7FFFFFFF  }
tec
execute0_lowered:
.L_overlay_start_1:
0x0: {  	(tag) =	ssettag $0x1  }
0x1: {  	s1 =	srdreg.scid  }
0x2: {  	s0 =	stileid.u32;
	s14 =	sand.u32 $0x1, s1  }
0x3: {  	s29 =	sshll.u32 s0, $0xA;
	s2 =	sshll.u32 s14, $0x9  }
0x4: {  	s15 =	rddreg [dreg:$0x0];
	s16 =	sor.u32 s2, s29  }
0x5: {  	s1 =	rddreg [dreg:$0x1];
	s2 =	simm.s32 $0x0;
	s3 =	sshrl.u32 s16, $0x3  }
0x6: {  	[smem:$0x7FF] =	sst s2;
	s3 =	sadd.s32 s3, s15  }
0x7: {  	_ =	strace $0x80000047;
	s4 =	sadd.s32 $0x3600, s3;
	s3 =	simm.s32 $0x2  }
0x8: {  	[tilespmem:s2], [sflag:$0x2] =	stream.linear.gather [hbm4b:s4+s2], $0x200, $0x38;
	[tilespmem:$0x10200] =	vst v63  }
0x9: {  	_ =	swait.ge [sflag:s3], $0x200  }
0xa: {  	s6 =	simm.s32 $0x80;
	[sflag:s3] =	ssyncset.done $0x0  }
0xb: {  	s7 =	simm.s32 $0x200;
	s5 =	sadd.s32 $0x3E00, s15;
	[sflag:s3] =	ssyncadd.s32 $0xFFFFFE00  }
0xc: {  	[tilespmem:s7], [sflag:$0x1] =	stream.indirect.gather [hbm4b:s5+s6], $0x80, s2, s6, $0xb8;
	[tilespmem:$0x10200] =	vst v63  }
0xd: {  	s8 =	simm.s32 $0x4200  }
0xe: {  	[tilespmem:s8], [sflag:$0x1] =	stream.indirect.gather [hbm4b:s5+s6], $0x80, s6, s6, $0xb8;
	[tilespmem:$0x10200] =	vst v63  }
0xf: {  	s9 =	simm.s32 $0x100;
	s10 =	simm.s32 $0x8200  }
0x10: {  	[tilespmem:s10], [sflag:$0x1] =	stream.indirect.gather [hbm4b:s5+s6], $0x80, s9, s6, $0xb8;
	[tilespmem:$0x10200] =	vst v63  }
0x11: {  	s11 =	simm.s32 $0x180;
	s12 =	simm.s32 $0xC200;
	s13 =	simm.s32 $0x1  }
0x12: {  	[tilespmem:s12], [sflag:$0x1] =	stream.indirect.gather [hbm4b:s5+s6], $0x80, s11, s6, $0xb8;
	[tilespmem:$0x10200] =	vst v63  }
0x13: {  	_ =	swait.ge [sflag:s13], $0x4000  }
0x14: {  	[sflag:s13] =	ssyncset.done $0x0  }
0x15: {  	[sflag:s13] =	ssyncadd.s32 $0xFFFFC000  }
0x16: {  	_ =	swait.ge [sflag:s13], $0x4000  }
0x17: {  	[sflag:s13] =	ssyncset.done $0x0  }
0x18: {  	s14 =	ssub.s32 $0x2, s14;
	[sflag:s13] =	ssyncadd.s32 $0xFFFFC000  }
0x19: {  	s17 =	sshrl.u32 s14, $0x1;
	_ =	swait.ge [sflag:s13], $0x4000  }
0x1a: {  	s30 =	ssub.s32 s14, s17;
	[sflag:s13] =	ssyncset.done $0x0  }
0x1b: {  	s31 =	smax.u32 s30, $0x1;
	[sflag:s13] =	ssyncadd.s32 $0xFFFFC000  }
0x1c: {  	s16 =	sshll.u32 s16, $0x4;
	p0 =	sne.s32 s31, $0x1;
	_ =	swait.ge [sflag:s13], $0x4000  }
.Ltmp0:
0x1d: {  	s15 =	sadd.s32 s16, s15;
	[sflag:s13] =	ssyncset.done $0x0;
	(pc) =	sbr.rel @!p0 .LBB2_2-.Ltmp0, $4  }
0x1e: {  	s14 =	sadd.s32 $0x403E00, s15;
	[sflag:s13] =	ssyncadd.s32 $0xFFFFC000  }
0x1f: {  	[hbm4b:s14+s2] =	stream.linear.scatter [tilespmem:s7], [sflag:$0x2], $0x10000, $0x38;
	[tilespmem:$0x10200] =	vst v63  }
0x20: {  	_ =	swait.ge [sflag:s3], $0x10000  }
0x21: {  	s15 =	sadd.s32 $0xFFFFFFFF, s31;
	[sflag:s3] =	ssyncset.done $0x0  }
.LBB2_1:
0x22: {  	p0 =	sne.s32 s15, $0x1;
	s15 =	sadd.s32 $0xFFFFFFFF, s15;
	[sflag:s3] =	ssyncadd.s32 $0xFFFF0000  }
0x23: {  	[tilespmem:s2], [sflag:$0x2] =	stream.linear.gather [hbm4b:s4+s2], $0x200, $0x38;
	[tilespmem:$0x10200] =	vst v63  }
0x24: {  	_ =	swait.ge [sflag:s3], $0x200  }
0x25: {  	[sflag:s3] =	ssyncset.done $0x0  }
0x26: {  	[sflag:s3] =	ssyncadd.s32 $0xFFFFFE00  }
0x27: {  	[tilespmem:s7], [sflag:$0x1] =	stream.indirect.gather [hbm4b:s5+s6], $0x80, s2, s6, $0xb8;
	[tilespmem:$0x10200] =	vst v63  }
0x28: {  	_ = 	snop  }
0x29: {  	[tilespmem:s8], [sflag:$0x1] =	stream.indirect.gather [hbm4b:s5+s6], $0x80, s6, s6, $0xb8;
	[tilespmem:$0x10200] =	vst v63  }
0x2a: {  	_ = 	snop  }
0x2b: {  	[tilespmem:s10], [sflag:$0x1] =	stream.indirect.gather [hbm4b:s5+s6], $0x80, s9, s6, $0xb8;
	[tilespmem:$0x10200] =	vst v63  }
0x2c: {  	_ = 	snop  }
0x2d: {  	[tilespmem:s12], [sflag:$0x1] =	stream.indirect.gather [hbm4b:s5+s6], $0x80, s11, s6, $0xb8;
	[tilespmem:$0x10200] =	vst v63  }
0x2e: {  	_ =	swait.ge [sflag:s13], $0x4000  }
0x2f: {  	[sflag:s13] =	ssyncset.done $0x0  }
0x30: {  	[sflag:s13] =	ssyncadd.s32 $0xFFFFC000  }
0x31: {  	_ =	swait.ge [sflag:s13], $0x4000  }
0x32: {  	[sflag:s13] =	ssyncset.done $0x0  }
0x33: {  	[sflag:s13] =	ssyncadd.s32 $0xFFFFC000  }
0x34: {  	_ =	swait.ge [sflag:s13], $0x4000  }
0x35: {  	[sflag:s13] =	ssyncset.done $0x0  }
0x36: {  	[sflag:s13] =	ssyncadd.s32 $0xFFFFC000  }
0x37: {  	_ =	swait.ge [sflag:s13], $0x4000  }
.Ltmp1:
0x38: {  	[sflag:s13] =	ssyncset.done $0x0;
	(pc) =	sbr.rel @p0 .LBB2_1-.Ltmp1, $4  }
0x39: {  	[sflag:s13] =	ssyncadd.s32 $0xFFFFC000  }
0x3a: {  	[hbm4b:s14+s2] =	stream.linear.scatter [tilespmem:s7], [sflag:$0x2], $0x10000, $0x38;
	[tilespmem:$0x10200] =	vst v63  }
0x3b: {  	_ =	swait.ge [sflag:s3], $0x10000  }
0x3c: {  	[sflag:s3] =	ssyncset.done $0x0  }
.LBB2_2:
0x3d: {  	[sflag:s3] =	ssyncadd.s32 $0xFFFF0000  }
0x3e: {  	_ =	sfence.sel $0x180000  }
0x3f: {  	[bflag:$0x0] =	sbarrier.arrive $0xFFFF  }
0x40: {  	p0 =	sne.s32 s0, $0x0;
	_ =	strace $0x90000047  }
0x41: {  	s0 =	sadd.s32 @!p0 $0x100000, s1;
	[bflag:$0x2] =	sbarrier.arrive $0xFFFF  }
0x42: {  	[sflag:s0] =	ssyncadd.tile.s32 @!p0 $0x1;
	_ =	shalt  }
.Lfunc_end2:
_tile_overlayer_lowered:
.L_overlay_start_2:
0x43: {  	(tag) =	ssettag $0x2  }
0x44: {  	s0 =	rddreg [dreg:$0x0];
	s2 =	stileid.u32  }
0x45: {  	s1 =	rddreg [dreg:$0x1];
	p0 =	sne.s32 s2, $0x0  }
0x46: {  	s3 =	rddreg [dreg:$0x2];
	[bflag:$0x3] =	sbarrier.arrive $0xFFFF;
	s2 =	simm.s32 @!p0 $0x1C02  }
0x47: {  	[timem:s3], [sflag:s2] =	dma.local @!p0 [hbm:s0], s1  }
0x48: {  	s0 =	simm.s32 @!p0 $0x2  }
0x49: {  	_ =	swait.ge @!p0 [sflag:s0], s1  }
0x4a: {  	s1 =	ssub.s32 @!p0 $0x0, s1;
	[sflag:s0] =	ssyncset.done @!p0 $0x0  }
0x4b: {  	[sflag:s0] =	ssyncadd.s32 @!p0 s1  }
0x4c: {  	[bflag:$0x3] =	sbarrier.arrive $0xFFFF  }
0x4d: {  	_ =	shalt  }

// kernel: kernel.7.cloned.1.call-start
scs
__scs_entry_jumppad:
0x0: {  	(pc) =	sbr.rel $0x88, $3  }
0x1: {  	(tag) =	ssettag $0x0;
	lr =	simm.s32 $0x1  }
0x2: {  	[smem:$0x3F95] =	sst lr;
	_ =	strace $0xD0000000  }
0x3: {  	_ = 	snop  }
0x4: {  	_ = 	snop  }
0x5: {  	_ = 	snop  }
0x6: {  	_ = 	snop  }
0x7: {  	_ = 	snop  }
__scs_overlays_trampoline_lowered:
0x8: {  	[smem:$0x3FA4] =	sst s0  }
0x9: {  	[smem:$0x3FA5] =	sst s1  }
0xa: {  	[smem:$0x3FA6] =	sst s2  }
0xb: {  	[smem:$0x3FA7] =	sst s3  }
0xc: {  	[smem:$0x3FA8] =	sst s4  }
0xd: {  	[smem:$0x3FA9] =	sst s5  }
0xe: {  	[smem:$0x3FAA] =	sst s6  }
0xf: {  	[smem:$0x3FAB] =	sst s7  }
0x10: {  	[smem:$0x3FAC] =	sst s8  }
0x11: {  	[smem:$0x3FAD] =	sst s9;
	s0 =	simm.s32 @!p0 $0x0  }
0x12: {  	s1 =	sld [smem:$0x3F93];
	s0 =	simm.s32 @p0 $0x1  }
0x13: {  	[smem:$0x3FAE] =	sst s0;
	s0 =	simm.s32 @!p1 $0x0  }
0x14: {  	s2 =	sld [smem:$0x3F92];
	s0 =	simm.s32 @p1 $0x1  }
0x15: {  	[smem:$0x3FAF] =	sst s0;
	s0 =	simm.s32 @!p2 $0x0  }
0x16: {  	s3 =	sld [smem:$0x3FDB];
	s0 =	simm.s32 @p2 $0x1  }
0x17: {  	s4 =	simm.s32 $0x1BF5;
	[smem:$0x3FB1] =	sst s0  }
0x18: {  	s0 =	sld [smem:$0x3F94];
	_ =	swait.ge [sflag:s4], $0x0  }
0x19: {  	s7 =	sld [smem:$0x3F95]  }
0x1a: {  	s8 =	sadd.s32 $0xFFFFE003, lr  }
0x1b: {  	s9 =	sadd.s32 $0xFFFFFEF7, lr;
	s5 =	simm.s32 $0xFFFFFFFF;
	p2 =	slt.u32 s8, $0xFFFFF086  }
0x1c: {  	p1 =	slt.u32 s9, $0xF7A;
	s5 =	simm.s32 @!p2 $0x0  }
0x1d: {  	s5 =	simm.s32 @p1 $0x1;
	p0 =	seq.s32 s7, s2  }
0x1e: {  	s7 =	smul.u32 @!p0 $0xF7A, s2;
	p2 =	seq.s32 @!p0 s5, $0x0  }
0x1f: {  	s9 =	smul.u32 $0xF7A, s1;
	s8 =	simm.s32 @!p0 $0x1BF5;
	p2 =	por !p2, p0  }
0x20: {  	[sflag:s8] =	ssyncset.s32 @!p0 $0xFFFFF086;
	s6 =	sadd.s32 @!p0 s3, s7;
	s7 =	simm.s32 @!p0 $0x108  }
0x21: {  	s3 =	sadd.s32 s3, s9;
	s6 =	sadd.s32 @!p0 $0x88, s6;
	s7 =	simm.s32 @p2 $0x1082  }
0x22: {  	[simem:s7], [sflag:s8] =	dma.local @!p0 [hbm:s6], $0xF7A  }
0x23: {  	s9 =	sor.u32 $0xD0000000, s2;
	s6 =	simm.s32 $0x108;
	_ =	swait.ge @!p0 [sflag:s8], $0x0  }
0x24: {  	s3 =	sadd.s32 $0x88, s3;
	s6 =	simm.s32 @!p1 $0x1082;
	[sflag:s4] =	ssyncset.s32 $0xFFFFF086  }
0x25: {  	[simem:s6], [sflag:s4] =	dma.local [hbm:s3], $0xF7A  }
0x26: {  	[smem:$0x3F95] =	sst s1;
	(tag) =	ssettag s2;
	_ =	strace s9  }
0x27: {  	s1 =	sld [smem:$0x3FA5]  }
0x28: {  	s2 =	sld [smem:$0x3FA6]  }
0x29: {  	s4 =	sld [smem:$0x3FA8]  }
0x2a: {  	p0 =	seq.s32 s5, $0x0;
	s5 =	sld [smem:$0x3FA9]  }
0x2b: {  	s6 =	sld [smem:$0x3FAA]  }
0x2c: {  	s7 =	sld [smem:$0x3FAB]  }
0x2d: {  	s3 =	simm.s32 $0x108;
	s8 =	sld [smem:$0x3FAC]  }
0x2e: {  	s3 =	simm.s32 @!p0 $0x1082;
	s9 =	sld [smem:$0x3FAD]  }
0x2f: {  	lr =	sadd.s32 s0, s3;
	s0 =	sld [smem:$0x3FA4]  }
0x30: {  	s3 =	sld [smem:$0x3FA7]  }
0x31: {  	[smem:$0x3FB0] =	sst s10  }
0x32: {  	s10 =	sld [smem:$0x3FAE];
	_ =	sdelay $0x3  }
0x33: {  	p0 =	seq.s32 s10, $0x1;
	s10 =	sld [smem:$0x3FB0];
	_ =	sdelay $0x3  }
0x34: {  	[smem:$0x3FB0] =	sst s10  }
0x35: {  	s10 =	sld [smem:$0x3FAF];
	_ =	sdelay $0x3  }
0x36: {  	p1 =	seq.s32 s10, $0x1;
	s10 =	sld [smem:$0x3FB0];
	_ =	sdelay $0x3  }
0x37: {  	[smem:$0x3FB0] =	sst s10  }
0x38: {  	s10 =	sld [smem:$0x3FB1]  }
0x39: {  	_ = 	snop;
	(pc) =	sbr.ind lr, $3  }
0x3a: {  	_ = 	snop  }
0x3b: {  	_ = 	snop  }
0x3c: {  	p2 =	seq.s32 s10, $0x1;
	s10 =	sld [smem:$0x3FB0]  }
0x3d: {  	_ =	shalt  }
0x3e: {  	_ =	shalt  }
0x3f: {  	_ =	shalt  }
0x40: {  	_ =	shalt  }
0x41: {  	_ =	shalt  }
0x42: {  	_ =	shalt  }
0x43: {  	_ =	shalt  }
0x44: {  	_ =	shalt  }
0x45: {  	_ =	shalt  }
0x46: {  	_ =	shalt  }
0x47: {  	_ =	shalt  }
0x48: {  	_ =	shalt  }
0x49: {  	_ =	shalt  }
0x4a: {  	_ =	shalt  }
0x4b: {  	_ =	shalt  }
0x4c: {  	_ =	shalt  }
0x4d: {  	_ =	shalt  }
0x4e: {  	_ =	shalt  }
0x4f: {  	_ =	shalt  }
0x50: {  	_ =	shalt  }
0x51: {  	_ =	shalt  }
0x52: {  	_ =	shalt  }
0x53: {  	_ =	shalt  }
0x54: {  	_ =	shalt  }
0x55: {  	_ =	shalt  }
0x56: {  	_ =	shalt  }
0x57: {  	_ =	shalt  }
0x58: {  	_ =	shalt  }
0x59: {  	_ =	shalt  }
0x5a: {  	_ =	shalt  }
0x5b: {  	_ =	shalt  }
0x5c: {  	_ =	shalt  }
0x5d: {  	_ =	shalt  }
0x5e: {  	_ =	shalt  }
0x5f: {  	_ =	shalt  }
0x60: {  	_ =	shalt  }
0x61: {  	_ =	shalt  }
0x62: {  	_ =	shalt  }
0x63: {  	_ =	shalt  }
0x64: {  	_ =	shalt  }
0x65: {  	_ =	shalt  }
0x66: {  	_ =	shalt  }
0x67: {  	_ =	shalt  }
0x68: {  	_ =	shalt  }
0x69: {  	_ =	shalt  }
0x6a: {  	_ =	shalt  }
0x6b: {  	_ =	shalt  }
0x6c: {  	_ =	shalt  }
0x6d: {  	_ =	shalt  }
0x6e: {  	_ =	shalt  }
0x6f: {  	_ =	shalt  }
0x70: {  	_ =	shalt  }
0x71: {  	_ =	shalt  }
0x72: {  	_ =	shalt  }
0x73: {  	_ =	shalt  }
0x74: {  	_ =	shalt  }
0x75: {  	_ =	shalt  }
0x76: {  	_ =	shalt  }
0x77: {  	_ =	shalt  }
0x78: {  	_ =	shalt  }
0x79: {  	_ =	shalt  }
0x7a: {  	_ =	shalt  }
0x7b: {  	_ =	shalt  }
0x7c: {  	_ =	shalt  }
0x7d: {  	_ =	shalt  }
0x7e: {  	_ =	shalt  }
0x7f: {  	_ =	shalt  }
0x80: {  	_ =	shalt  }
0x81: {  	_ =	shalt  }
0x82: {  	_ =	shalt  }
0x83: {  	_ =	shalt  }
0x84: {  	_ =	shalt  }
0x85: {  	_ =	shalt  }
0x86: {  	_ =	shalt  }
0x87: {  	_ =	shalt  }
.Lfunc_end0:
.L_simem_size_0:
called_computation_lowered:
.L_overlay_start_0:
0x88: {  	s2 =	sld [smem:$0x3FD9]  }
0x89: {  	s3 =	sld [smem:$0x3FFE];
	_ =	sdelay $0x1  }
0x8a: {  	s1 =	srdreg.scid  }
0x8b: {  	s0 =	sand.u32 $0x1, s1  }
0x8c: {  	s17 =	sshll.u32 s0, $0xA;
	s2 =	sadd.s32 s3, s2  }
0x8d: {  	s2 =	sadd.s32 s2, s17  }
0x8e: {  	[smem:$0x3FBC] =	sst s2  }
0x8f: {  	_ = 	snop  }
0x90: {  	s18 =	sld [smem:$0x3FD0];
	(tm) =	ssettm $0x1  }
0x91: {  	s19 =	sld [smem:$0x3FFB];
	_ =	sdelay $0x3  }
0x92: {  	_ =	strace s19  }
0x93: {  	s2 =	sld [smem:$0x3FFC];
	_ =	sdelay $0x3  }
0x94: {  	_ =	strace s2  }
0x95: {  	s2 =	sld [smem:$0x3FFD];
	_ =	sdelay $0x3  }
0x96: {  	_ =	strace s2  }
0x97: {  	_ =	strace $0x8FFFFFFF  }
0x98: {  	s20 =	sld [smem:$0x3FDB];
	_ =	sdelay $0x1  }
0x99: {  	s4 =	simm.s32 $_scs_section_size  }
0x9a: {  	s5 =	simm.s32 $_size__tile_overlayer_lowered;
	s6 =	simm.s32 $_tile_overlayer_lowered  }
0x9b: {  	s7 =	simm.s32 $0x1BFF;
	s21 =	sshll.u32 s6, $0x1;
	s4 =	sadd.s32 s4, s20  }
0x9c: {  	s22 =	simm.s32 $0x0;
	s5 =	sshll.u32 s5, $0x1;
	s6 =	sadd.s32 s21, s4  }
0x9d: {  	[timem:s22], [sflag:s7] =	dma.local [hbm:s6], s5  }
0x9e: {  	_ =	swait.ge [sflag:s7], s5  }
0x9f: {  	s5 =	ssub.s32 $0x0, s5;
	[sflag:s7] =	ssyncset.done $0x0  }
0xa0: {  	[sflag:s7] =	ssyncadd.s32 s5;
	_ =	sdelay $0x1  }
0xa1: {  	s23 =	simm.s32 $0x1B8B  }
0xa2: {  	_ =	swait.ge [sflag:s23], $0x1  }
0xa3: {  	[sflag:s23] =	ssyncset.done $0x0  }
0xa4: {  	[sflag:s23] =	ssyncadd.s32 $0xFFFFFFFF  }
0xa5: {  	s5 =	sld [smem:$0x0]  }
0xa6: {  	s6 =	sand.u32 $0xFFFFFFFE, s1  }
0xa7: {  	p0 =	sne.s32 s1, s6  }
0xa8: {  	s6 =	sshll.u32 @p0 s6, $0xE  }
0xa9: {  	s6 =	sadd.s32 @p0 $0x11B8D, s6;
	s7 =	sshll.u32 @p0 s5, $0x11  }
0xaa: {  	s6 =	sor.u32 @p0 s7, s6  }
0xab: {  	[sflag:s6] =	ssyncadd.remote.s32 @p0 $0x1;
	_ =	sdelay $0x1  }
0xac: {  	s6 =	simm.s32 @p0 $0x1B8D  }
0xad: {  	_ =	swait.eq @p0 [sflag:s6], $0x1  }
0xae: {  	[sflag:s6] =	ssyncadd.s32 @p0 $0xFFFFFFFF  }
0xaf: {  	s7 =	sshll.u32 @!p0 s1, $0xE  }
0xb0: {  	s7 =	sor.u32 @!p0 $0x4000, s7;
	s6 =	simm.s32 @!p0 $0x1B8D  }
0xb1: {  	s5 =	sshll.u32 @!p0 s5, $0x11;
	s7 =	sadd.s32 @!p0 $0x11B8D, s7;
	_ =	swait.eq @!p0 [sflag:s6], $0x1  }
0xb2: {  	s5 =	sor.u32 @!p0 s5, s7;
	[sflag:s6] =	ssyncadd.s32 @!p0 $0xFFFFFFFF  }
0xb3: {  	s25 =	simm.s32 $0x1B8E;
	s24 =	sld [smem:$0x3FFE];
	[sflag:s5] =	ssyncadd.remote.s32 @!p0 $0x1  }
0xb4: {  	s26 =	simm.s32 $execute0_lowered;
	[smem:$0x3FD2] =	sst s25  }
0xb5: {  	s6 =	sshll.u32 s26, $0x1;
	_ =	strace $0x80000049;
	[dreg:$0x1] =	wrdreg $0xFFFFFFFF  }
0xb6: {  	s28 =	simm.s32 $_size_execute0_lowered;
	s4 =	sadd.s32 s4, s6;
	[dreg:$0x0] =	wrdreg $0x0  }
0xb7: {  	s6 =	sshll.u32 s28, $0x1;
	[dreg:$0x2] =	wrdreg s4  }
0xb8: {  	[dreg:$0x3] =	wrdreg s6  }
0xb9: {  	[dreg:$0x4] =	wrdreg $0xC0  }
0xba: {  	_ =	task [dreg:s22], $0x5FFFF  }
0xbb: {  	[dreg:$0x1] =	wrdreg $0xFFFFFFFF  }
0xbc: {  	[dreg:$0x0] =	wrdreg $0x60  }
0xbd: {  	[dreg:$0x2] =	wrdreg s24  }
0xbe: {  	[dreg:$0x3] =	wrdreg s18  }
0xbf: {  	[dreg:$0x4] =	wrdreg $0x9  }
0xc0: {  	_ =	task.clear_ibuf [dreg:s22], $0x5FFFF;
	_ =	strace $0x90000049  }
0xc1: {  	s29 =	simm.s32 $0x9;
	_ =	strace $0x8000004B  }
0xc2: {  	_ =	swait.ge [sflag:s29], $0x1  }
0xc3: {  	[sflag:s29] =	ssyncadd.s32 $0xFFFFFFFF  }
0xc4: {  	_ =	strace $0x9000004B  }
0xc5: {  	_ =	sfence  }
0xc6: {  	s30 =	sld [smem:$0x0];
	_ =	sdelay $0x2  }
0xc7: {  	s31 =	sshll.u32 s1, $0xD;
	s1 =	sshrl.u32 s1, $0x2  }
0xc8: {  	s4 =	sand.u32 $0x4000, s31;
	s1 =	sadd.s32 s1, s30  }
0xc9: {  	s0 =	sor.u32 s4, s0;
	s1 =	sshll.u32 s1, $0x11  }
0xca: {  	s0 =	sor.u32 s1, s0  }
0xcb: {  	s0 =	sadd.s32 $0x8F2B, s0  }
0xcc: {  	[sflag:s0] =	ssyncadd.remote.s32 $0x1  }
0xcd: {  	_ =	sfence.sel $0xFFFF  }
0xce: {  	[dreg:$0x0] =	wrdreg $0xFFFFFFFF;
	(pc) =	sbr.abs _section_cstart, $3  }
0xcf: {  	[dreg:$0x1] =	wrdreg $0xFFFFFFFF  }
0xd0: {  	_ =	task.clear_ibuf [dreg:s22], $0x2FFFF;
	_ =	strace $0x9FFFFFFF  }
0xd1: {  	(tm) =	ssettm $0x7FFFFFFF  }
tec
execute0_lowered:
.L_overlay_start_1:
0x0: {  	(tag) =	ssettag $0x1  }
0x1: {  	s1 =	srdreg.scid  }
0x2: {  	s14 =	rddreg [dreg:$0x0];
	s0 =	stileid.u32;
	s15 =	sand.u32 $0x1, s1  }
0x3: {  	s3 =	rddreg [dreg:$0x1];
	s4 =	sshll.u32 s0, $0xA;
	s5 =	sshll.u32 s15, $0x9  }
0x4: {  	s2 =	simm.s32 $0x0;
	s1 =	rddreg [dreg:$0x2];
	s16 =	sor.u32 s5, s4  }
0x5: {  	[smem:$0x7FF] =	sst s2;
	s4 =	sshrl.u32 s16, $0x3  }
0x6: {  	_ =	strace $0x8000004A;
	s4 =	sadd.s32 s3, s4;
	s3 =	simm.s32 $0x2  }
0x7: {  	[tilespmem:s2], [sflag:$0x2] =	stream.linear.gather [hbm4b:s4+s2], $0x200, $0x38;
	[tilespmem:$0x10200] =	vst v63  }
0x8: {  	_ =	swait.ge [sflag:s3], $0x200  }
0x9: {  	s6 =	simm.s32 $0x80;
	[sflag:s3] =	ssyncset.done $0x0  }
0xa: {  	s7 =	simm.s32 $0x200;
	s5 =	sadd.s32 $0x443E00, s14;
	[sflag:s3] =	ssyncadd.s32 $0xFFFFFE00  }
0xb: {  	[tilespmem:s7], [sflag:$0x1] =	stream.indirect.gather [hbm4b:s5+s6], $0x80, s2, s6, $0xb8;
	[tilespmem:$0x10200] =	vst v63  }
0xc: {  	s8 =	simm.s32 $0x4200  }
0xd: {  	[tilespmem:s8], [sflag:$0x1] =	stream.indirect.gather [hbm4b:s5+s6], $0x80, s6, s6, $0xb8;
	[tilespmem:$0x10200] =	vst v63  }
0xe: {  	s9 =	simm.s32 $0x100;
	s10 =	simm.s32 $0x8200  }
0xf: {  	[tilespmem:s10], [sflag:$0x1] =	stream.indirect.gather [hbm4b:s5+s6], $0x80, s9, s6, $0xb8;
	[tilespmem:$0x10200] =	vst v63  }
0x10: {  	s11 =	simm.s32 $0x180;
	s12 =	simm.s32 $0xC200;
	s13 =	simm.s32 $0x1  }
0x11: {  	[tilespmem:s12], [sflag:$0x1] =	stream.indirect.gather [hbm4b:s5+s6], $0x80, s11, s6, $0xb8;
	[tilespmem:$0x10200] =	vst v63  }
0x12: {  	_ =	swait.ge [sflag:s13], $0x4000  }
0x13: {  	[sflag:s13] =	ssyncset.done $0x0  }
0x14: {  	[sflag:s13] =	ssyncadd.s32 $0xFFFFC000  }
0x15: {  	_ =	swait.ge [sflag:s13], $0x4000  }
0x16: {  	[sflag:s13] =	ssyncset.done $0x0  }
0x17: {  	s15 =	ssub.s32 $0x2, s15;
	[sflag:s13] =	ssyncadd.s32 $0xFFFFC000  }
0x18: {  	s17 =	sshrl.u32 s15, $0x1;
	_ =	swait.ge [sflag:s13], $0x4000  }
0x19: {  	s15 =	ssub.s32 s15, s17;
	[sflag:s13] =	ssyncset.done $0x0  }
0x1a: {  	s15 =	smax.u32 s15, $0x1;
	[sflag:s13] =	ssyncadd.s32 $0xFFFFC000  }
0x1b: {  	s16 =	sshll.u32 s16, $0x4;
	p0 =	sne.s32 s15, $0x1;
	_ =	swait.ge [sflag:s13], $0x4000  }
.Ltmp0:
0x1c: {  	s14 =	sadd.s32 s16, s14;
	[sflag:s13] =	ssyncset.done $0x0;
	(pc) =	sbr.rel @!p0 .LBB2_2-.Ltmp0, $4  }
0x1d: {  	s14 =	sadd.s32 $0x843E00, s14;
	[sflag:s13] =	ssyncadd.s32 $0xFFFFC000  }
0x1e: {  	[hbm4b:s14+s2] =	stream.linear.scatter [tilespmem:s7], [sflag:$0x2], $0x10000, $0x38;
	[tilespmem:$0x10200] =	vst v63  }
0x1f: {  	_ =	swait.ge [sflag:s3], $0x10000  }
0x20: {  	s15 =	sadd.s32 $0xFFFFFFFF, s15;
	[sflag:s3] =	ssyncset.done $0x0  }
.LBB2_1:
0x21: {  	p0 =	sne.s32 s15, $0x1;
	s15 =	sadd.s32 $0xFFFFFFFF, s15;
	[sflag:s3] =	ssyncadd.s32 $0xFFFF0000  }
0x22: {  	[tilespmem:s2], [sflag:$0x2] =	stream.linear.gather [hbm4b:s4+s2], $0x200, $0x38;
	[tilespmem:$0x10200] =	vst v63  }
0x23: {  	_ =	swait.ge [sflag:s3], $0x200  }
0x24: {  	[sflag:s3] =	ssyncset.done $0x0  }
0x25: {  	[sflag:s3] =	ssyncadd.s32 $0xFFFFFE00  }
0x26: {  	[tilespmem:s7], [sflag:$0x1] =	stream.indirect.gather [hbm4b:s5+s6], $0x80, s2, s6, $0xb8;
	[tilespmem:$0x10200] =	vst v63  }
0x27: {  	_ = 	snop  }
0x28: {  	[tilespmem:s8], [sflag:$0x1] =	stream.indirect.gather [hbm4b:s5+s6], $0x80, s6, s6, $0xb8;
	[tilespmem:$0x10200] =	vst v63  }
0x29: {  	_ = 	snop  }
0x2a: {  	[tilespmem:s10], [sflag:$0x1] =	stream.indirect.gather [hbm4b:s5+s6], $0x80, s9, s6, $0xb8;
	[tilespmem:$0x10200] =	vst v63  }
0x2b: {  	_ = 	snop  }
0x2c: {  	[tilespmem:s12], [sflag:$0x1] =	stream.indirect.gather [hbm4b:s5+s6], $0x80, s11, s6, $0xb8;
	[tilespmem:$0x10200] =	vst v63  }
0x2d: {  	_ =	swait.ge [sflag:s13], $0x4000  }
0x2e: {  	[sflag:s13] =	ssyncset.done $0x0  }
0x2f: {  	[sflag:s13] =	ssyncadd.s32 $0xFFFFC000  }
0x30: {  	_ =	swait.ge [sflag:s13], $0x4000  }
0x31: {  	[sflag:s13] =	ssyncset.done $0x0  }
0x32: {  	[sflag:s13] =	ssyncadd.s32 $0xFFFFC000  }
0x33: {  	_ =	swait.ge [sflag:s13], $0x4000  }
0x34: {  	[sflag:s13] =	ssyncset.done $0x0  }
0x35: {  	[sflag:s13] =	ssyncadd.s32 $0xFFFFC000  }
0x36: {  	_ =	swait.ge [sflag:s13], $0x4000  }
.Ltmp1:
0x37: {  	[sflag:s13] =	ssyncset.done $0x0;
	(pc) =	sbr.rel @p0 .LBB2_1-.Ltmp1, $4  }
0x38: {  	[sflag:s13] =	ssyncadd.s32 $0xFFFFC000  }
0x39: {  	[hbm4b:s14+s2] =	stream.linear.scatter [tilespmem:s7], [sflag:$0x2], $0x10000, $0x38;
	[tilespmem:$0x10200] =	vst v63  }
0x3a: {  	_ =	swait.ge [sflag:s3], $0x10000  }
0x3b: {  	[sflag:s3] =	ssyncset.done $0x0  }
.LBB2_2:
0x3c: {  	[sflag:s3] =	ssyncadd.s32 $0xFFFF0000  }
0x3d: {  	_ =	sfence.sel $0x180000  }
0x3e: {  	[bflag:$0x0] =	sbarrier.arrive $0xFFFF  }
0x3f: {  	p0 =	sne.s32 s0, $0x0;
	_ =	strace $0x9000004A  }
0x40: {  	s0 =	sadd.s32 @!p0 $0x100000, s1;
	[bflag:$0x2] =	sbarrier.arrive $0xFFFF  }
0x41: {  	[sflag:s0] =	ssyncadd.tile.s32 @!p0 $0x1;
	_ =	shalt  }
.Lfunc_end2:
_tile_overlayer_lowered:
.L_overlay_start_2:
0x42: {  	(tag) =	ssettag $0x2  }
0x43: {  	s0 =	rddreg [dreg:$0x0];
	s2 =	stileid.u32  }
0x44: {  	s1 =	rddreg [dreg:$0x1];
	p0 =	sne.s32 s2, $0x0  }
0x45: {  	s3 =	rddreg [dreg:$0x2];
	[bflag:$0x3] =	sbarrier.arrive $0xFFFF;
	s2 =	simm.s32 @!p0 $0x1C02  }
0x46: {  	[timem:s3], [sflag:s2] =	dma.local @!p0 [hbm:s0], s1  }
0x47: {  	s0 =	simm.s32 @!p0 $0x2  }
0x48: {  	_ =	swait.ge @!p0 [sflag:s0], s1  }
0x49: {  	s1 =	ssub.s32 @!p0 $0x0, s1;
	[sflag:s0] =	ssyncset.done @!p0 $0x0  }
0x4a: {  	[sflag:s0] =	ssyncadd.s32 @!p0 s1  }
0x4b: {  	[bflag:$0x3] =	sbarrier.arrive $0xFFFF  }
0x4c: {  	_ =	shalt  }

</sc_bundles>
